<compile_context>
chip_gen: v7x
topology: tpu7x:2x2x1
jax: 0.10.2.dev20260603
libtpu: 0.0.44.dev20260713+nightly
codegen_flags: <defaults>
</compile_context>

<pallas_src>
import jax
import jax.numpy as jnp
from jax import lax
from jax.experimental import pallas as pl
from jax.experimental.pallas import tpu as pltpu
from jax.experimental.pallas import tpu_sc as plsc

_B, _L, _H = 4, 4096, 128
_G = 512
_DA = 8 * _H
_DM = 2 * _H
_NC, _NS = 2, 16
_NW = _NC * _NS
_CHUNK = (_B * _G) // _NW
_WPB = _G // _CHUNK
_NCH = 4
_RPC = _CHUNK // _NCH
_RB = 16
_OFF_WM = _DA
_OFF_WAS = _DA + _DM
_OFF_WMS = 2 * _DA + _DM
_WLEN = 2 * (_DA + _DM)


def _sc_body(att_hbm, mod_hbm, gidx_hbm, wa_hbm, wm_hbm, was_hbm, wms_hbm,
             ba_hbm, bm_hbm, bas_hbm, bms_hbm, out_hbm,
             idx_v, arows, mrows, wv, bsc, pacc, out_v, sems, wsem):
    wid = lax.axis_index("s") * _NC + lax.axis_index("c")
    b = wid // _WPB
    col0 = (wid % _WPB) * _CHUNK

    pltpu.sync_copy(gidx_hbm.at[b, pl.ds(col0, _CHUNK)], idx_v)

    att_b = att_hbm.at[b]
    mod_b = mod_hbm.at[b]
    cps = []
    for c in range(_NCH):
        sl = pl.ds(c * _RPC, _RPC)
        cpa = pltpu.async_copy(att_b.at[idx_v.at[sl]], arows.at[sl],
                               sems.at[2 * c])
        cpm = pltpu.async_copy(mod_b.at[idx_v.at[sl]], mrows.at[sl],
                               sems.at[2 * c + 1])
        cps.append((cpa, cpm))

    wcps = [
        pltpu.async_copy(wa_hbm.at[0], wv.at[pl.ds(0, _DA)], wsem),
        pltpu.async_copy(wm_hbm.at[0], wv.at[pl.ds(_OFF_WM, _DM)], wsem),
        pltpu.async_copy(was_hbm.at[0], wv.at[pl.ds(_OFF_WAS, _DA)], wsem),
        pltpu.async_copy(wms_hbm.at[0], wv.at[pl.ds(_OFF_WMS, _DM)], wsem),
        pltpu.async_copy(ba_hbm, bsc.at[pl.ds(0, 1)], wsem),
        pltpu.async_copy(bm_hbm, bsc.at[pl.ds(16, 1)], wsem),
        pltpu.async_copy(bas_hbm, bsc.at[pl.ds(32, 1)], wsem),
        pltpu.async_copy(bms_hbm, bsc.at[pl.ds(48, 1)], wsem),
    ]
    for cp in wcps:
        cp.wait()

    lane0 = lax.iota(jnp.int32, 16) == 0
    zeros16 = jnp.zeros((16,), jnp.float32)
    bias_r = bsc[pl.ds(0, 16)][0] + bsc[pl.ds(16, 16)][0]
    bias_s = bsc[pl.ds(32, 16)][0] + bsc[pl.ds(48, 16)][0]

    blocks_per_chunk = _RPC // _RB

    def block(rbi, carry):
        for c in range(_NCH):
            @pl.when(rbi == c * blocks_per_chunk)
            def _w(c=c):
                cps[c][0].wait()
                cps[c][1].wait()

        rb = rbi * _RB
        init = tuple(jnp.where(lane0, bias_r, zeros16) for _ in range(_RB))

        def ja(j, accs):
            w = wv[pl.ds(j * 16, 16)]
            return tuple(accs[i] + arows[rb + i, pl.ds(j * 16, 16)] * w
                         for i in range(_RB))

        accs = lax.fori_loop(0, _DA // 16, ja, init, unroll=2)

        def jm(j, accs):
            w = wv[pl.ds(_OFF_WM + j * 16, 16)]
            return tuple(accs[i] + mrows[rb + i, pl.ds(j * 16, 16)] * w
                         for i in range(_RB))

        accs = lax.fori_loop(0, _DM // 16, jm, accs, unroll=2)
        for i in range(_RB):
            pacc[rb + i] = accs[i]
        return carry

    lax.fori_loop(0, _CHUNK // _RB, block, 0)

    @pl.when(col0 == 0)
    def _fix_start():
        init = jnp.where(lane0, bias_s, zeros16)

        def ja(j, acc):
            return acc + arows[0, pl.ds(j * 16, 16)] * wv[pl.ds(_OFF_WAS + j * 16, 16)]

        acc = lax.fori_loop(0, _DA // 16, ja, init, unroll=4)

        def jm(j, acc):
            return acc + mrows[0, pl.ds(j * 16, 16)] * wv[pl.ds(_OFF_WMS + j * 16, 16)]

        pacc[0] = lax.fori_loop(0, _DM // 16, jm, acc, unroll=4)

    iota16 = lax.iota(jnp.int32, 16)

    def red(g, carry):
        rows16 = g * 16 + iota16

        def redk(k, acc):
            return acc + plsc.load_gather(
                pacc, [rows16, jnp.full((16,), k, jnp.int32)])

        out_v[pl.ds(g * 16, 16)] = lax.fori_loop(0, 16, redk, zeros16,
                                                 unroll=4)
        return carry

    lax.fori_loop(0, _CHUNK // 16, red, 0)

    pltpu.sync_copy(out_v, out_hbm.at[b, pl.ds(col0, _CHUNK)])


@jax.jit
def _sc_call(att, mod, gidx, wa, wm, was, wms, ba, bm, bas, bms):
    mesh = plsc.VectorSubcoreMesh(core_axis_name="c", subcore_axis_name="s")
    return pl.kernel(
        _sc_body,
        out_type=jax.ShapeDtypeStruct((_B, _G), jnp.float32),
        mesh=mesh,
        scratch_types=[
            pltpu.VMEM((_CHUNK,), jnp.int32),
            pltpu.VMEM((_CHUNK, _DA), jnp.float32),
            pltpu.VMEM((_CHUNK, _DM), jnp.float32),
            pltpu.VMEM((_WLEN,), jnp.float32),
            pltpu.VMEM((64,), jnp.float32),
            pltpu.VMEM((_CHUNK, 16), jnp.float32),
            pltpu.VMEM((_CHUNK,), jnp.float32),
            pltpu.SemaphoreType.DMA((2 * _NCH,)),
            pltpu.SemaphoreType.DMA,
        ],
        compiler_params=pltpu.CompilerParams(needs_layout_passes=False),
    )(att, mod, gidx, wa, wm, was, wms, ba, bm, bas, bms)


def kernel(att, mod, gap_indices, mask, q_enc, q_mask,
           W_att, b_att, W_mod, b_mod, W_att_s, b_att_s, W_mod_s, b_mod_s):
    return _sc_call(att, mod, gap_indices.astype(jnp.int32),
                    W_att, W_mod, W_att_s, W_mod_s,
                    b_att, b_mod, b_att_s, b_mod_s)

# --- scband reference (transcript-rebuilt; emitter-appended) ---
"""Pipeline reference for scband-gtoutput2-71330816852701 (READ-ONLY COPY).

The authoritative reference and input builder live on the scoring server;
editing this copy changes nothing except your own understanding.
"""

import jax, jax.numpy as jnp
import numpy as np

B, L, H = 4, 4096, 128
G = 512
D_ATT = 8 * H  # 1024
D_MOD = 2 * H  # 256


def setup_inputs(seed: int = 0) -> dict:
    key = jax.random.key(seed)
    ks = jax.random.split(key, 12)
    att = jax.random.normal(ks[0], (B, L, D_ATT), dtype=jnp.float32)
    mod = jax.random.normal(ks[1], (B, L, D_MOD), dtype=jnp.float32)
    gap_indices = jax.random.randint(ks[2], (B, G), 0, L, dtype=jnp.int64)
    mask = jnp.ones((B, L), dtype=bool)
    q_enc = jax.random.normal(ks[3], (B, 64, D_MOD), dtype=jnp.float32)
    q_mask = jnp.ones((B, 64), dtype=bool)
    # learned parameters (nn.Linear: weight [out, in], bias [out])
    W_att = jax.random.normal(ks[4], (1, D_ATT), dtype=jnp.float32) * 0.02
    b_att = jnp.zeros((1,), dtype=jnp.float32)
    W_mod = jax.random.normal(ks[5], (1, D_MOD), dtype=jnp.float32) * 0.02
    b_mod = jnp.zeros((1,), dtype=jnp.float32)
    W_att_s = jax.random.normal(ks[6], (1, D_ATT), dtype=jnp.float32) * 0.02
    b_att_s = jnp.zeros((1,), dtype=jnp.float32)
    W_mod_s = jax.random.normal(ks[7], (1, D_MOD), dtype=jnp.float32) * 0.02
    b_mod_s = jnp.zeros((1,), dtype=jnp.float32)
    return {
        "att": att, "mod": mod, "gap_indices": gap_indices, "mask": mask,
        "q_enc": q_enc, "q_mask": q_mask,
        "W_att": W_att, "b_att": b_att, "W_mod": W_mod, "b_mod": b_mod,
        "W_att_s": W_att_s, "b_att_s": b_att_s, "W_mod_s": W_mod_s, "b_mod_s": b_mod_s,
    }


def _linear(x, W, b):
    return x @ W.T + b


def reference(att, mod, gap_indices, mask, q_enc, q_mask,
              W_att, b_att, W_mod, b_mod, W_att_s, b_att_s, W_mod_s, b_mod_s):
    batch_size = mod.shape[0]
    index_all = jnp.arange(batch_size)[:, None]  # [B, 1]
    att_gaps = att[index_all, gap_indices]  # [B, G, 8H] gather
    mod_gaps = mod[index_all, gap_indices]  # [B, G, 2H] gather
    logits_start = _linear(att_gaps[:, 0][:, None, :], W_att_s, b_att_s) \
        + _linear(mod_gaps[:, 0][:, None, :], W_mod_s, b_mod_s)  # [B, 1, 1]
    logits = _linear(att_gaps[:, 1:], W_att, b_att) \
        + _linear(mod_gaps[:, 1:], W_mod, b_mod)  # [B, G-1, 1]
    logits = jnp.concatenate((logits_start, logits), axis=1)  # [B, G, 1]
    return jnp.squeeze(logits)  # [B, G]

if __name__ == "__main__":
    import jax
    _d = setup_inputs()
    print(jax.jit(kernel)(*tuple(_d.values())))

</pallas_src>

<mosaic_0001>
#map = affine_map<(d0, d1) -> (0, 0, 0)>
#map1 = affine_map<(d0, d1) -> (0, 0)>
#map2 = affine_map<(d0, d1) -> (0)>
module attributes {stable_mosaic.version = 14 : i64} {
  func.func @_sc_body(%arg0: i32, %arg1: i32, %arg2: memref<4x4096x1024xf32, #tpu.memory_space<hbm>>, %arg3: memref<4x4096x256xf32, #tpu.memory_space<hbm>>, %arg4: memref<4x512xi32, #tpu.memory_space<hbm>>, %arg5: memref<1x1024xf32, #tpu.memory_space<hbm>>, %arg6: memref<1x256xf32, #tpu.memory_space<hbm>>, %arg7: memref<1x1024xf32, #tpu.memory_space<hbm>>, %arg8: memref<1x256xf32, #tpu.memory_space<hbm>>, %arg9: memref<1xf32, #tpu.memory_space<hbm>>, %arg10: memref<1xf32, #tpu.memory_space<hbm>>, %arg11: memref<1xf32, #tpu.memory_space<hbm>>, %arg12: memref<1xf32, #tpu.memory_space<hbm>>, %arg13: memref<4x512xf32, #tpu.memory_space<hbm>>, %arg14: memref<64xi32, #tpu.memory_space<vmem>>, %arg15: memref<64x1024xf32, #tpu.memory_space<vmem>>, %arg16: memref<64x256xf32, #tpu.memory_space<vmem>>, %arg17: memref<2560xf32, #tpu.memory_space<vmem>>, %arg18: memref<64xf32, #tpu.memory_space<vmem>>, %arg19: memref<64x16xf32, #tpu.memory_space<vmem>>, %arg20: memref<64xf32, #tpu.memory_space<vmem>>, %arg21: memref<8x!tpu.dma_semaphore, #tpu.memory_space<semaphore_mem>>, %arg22: memref<!tpu.dma_semaphore, #tpu.memory_space<semaphore_mem>>) attributes {dimension_semantics = [#tpu.dimension_semantics<core_parallel>, #tpu.dimension_semantics<subcore_parallel>], iteration_bounds = array<i64: 2, 16>, scalar_prefetch = 0 : i64, scratch_operands = 9 : i64, tpu.core_type = #tpu.core_type<sc_vector_subcore>, window_params = [{transform_indices = #map}, {transform_indices = #map}, {transform_indices = #map1}, {transform_indices = #map1}, {transform_indices = #map1}, {transform_indices = #map1}, {transform_indices = #map1}, {transform_indices = #map2}, {transform_indices = #map2}, {transform_indices = #map2}, {transform_indices = #map2}, {transform_indices = #map1}]} {
    %mul3A = arith.constant 2 : i32
    %mul3A_0 = arith.muli %arg1, %mul3A : i32
    %add3A = arith.addi %mul3A_0, %arg0 : i32
    %jit3A = arith.constant 8 : i32
    %div3A = arith.divsi %add3A, %jit3A : i32
    %sign3A = arith.constant 0 : i32
    %sign3A_1 = arith.cmpi sgt, %add3A, %sign3A : i32
    %sign3A_2 = arith.extui %sign3A_1 : i1 to i32
    %sign3A_3 = arith.constant 0 : i32
    %sign3A_4 = arith.cmpi slt, %add3A, %sign3A_3 : i32
    %sign3A_5 = arith.extui %sign3A_4 : i1 to i32
    %sign3A_6 = arith.subi %sign3A_2, %sign3A_5 : i32
    %sign3A_7 = arith.constant 0 : i32
    %sign3A_8 = arith.cmpi sgt, %jit3A, %sign3A_7 : i32
    %sign3A_9 = arith.extui %sign3A_8 : i1 to i32
    %sign3A_10 = arith.constant 0 : i32
    %sign3A_11 = arith.cmpi slt, %jit3A, %sign3A_10 : i32
    %sign3A_12 = arith.extui %sign3A_11 : i1 to i32
    %sign3A_13 = arith.subi %sign3A_9, %sign3A_12 : i32
    %ne3A = arith.cmpi ne, %sign3A_6, %sign3A_13 : i32
    %rem3A = arith.remsi %add3A, %jit3A : i32
    %ne3A_14 = arith.constant 0 : i32
    %ne3A_15 = arith.cmpi ne, %rem3A, %ne3A_14 : i32
    %and3A = arith.andi %ne3A, %ne3A_15 : i1
    %sub3A = arith.constant 1 : i32
    %sub3A_16 = arith.subi %div3A, %sub3A : i32
    %select_n3A = arith.select %and3A, %sub3A_16, %div3A : i32
    %jit3A_17 = arith.constant 8 : i32
    %eq3A = arith.constant 0 : i32
    %eq3A_18 = arith.cmpi eq, %jit3A_17, %eq3A : i32
    %jit3A_19 = arith.constant 1 : i32
    %select_n3A_20 = arith.select %eq3A_18, %jit3A_19, %jit3A_17 : i32
    %rem3A_21 = arith.remsi %add3A, %select_n3A_20 : i32
    %ne3A_22 = arith.constant 0 : i32
    %ne3A_23 = arith.cmpi ne, %rem3A_21, %ne3A_22 : i32
    %lt3A = arith.constant 0 : i32
    %lt3A_24 = arith.cmpi slt, %rem3A_21, %lt3A : i32
    %lt3A_25 = arith.constant 0 : i32
    %lt3A_26 = arith.cmpi slt, %select_n3A_20, %lt3A_25 : i32
    %ne3A_27 = arith.xori %lt3A_24, %lt3A_26 : i1
    %and3A_28 = arith.andi %ne3A_27, %ne3A_23 : i1
    %add3A_29 = arith.addi %rem3A_21, %select_n3A_20 : i32
    %select_n3A_30 = arith.select %and3A_28, %add3A_29, %rem3A_21 : i32
    %mul3A_31 = arith.constant 64 : i32
    %mul3A_32 = arith.muli %select_n3A_30, %mul3A_31 : i32
    "tpu.region"() ({
      %run_scoped3A = tpu.sem_alloc : memref<!tpu.dma_semaphore, #tpu.memory_space<semaphore_mem>>
      %dma_start3A_313 = tpu.memref_slice %arg4[%select_n3A, %mul3A_32] : memref<4x512xi32, #tpu.memory_space<hbm>> -> memref<1x64xi32, #tpu.memory_space<hbm>>
      %dma_start3A_314 = tpu.memref_squeeze %dma_start3A_313 : memref<1x64xi32, #tpu.memory_space<hbm>> -> memref<64xi32, #tpu.memory_space<hbm>>
      %dma_start3A_315 = tpu.memref_slice %arg4[%select_n3A, %mul3A_32] : memref<4x512xi32, #tpu.memory_space<hbm>> -> memref<1x64xi32, #tpu.memory_space<hbm>>
      %dma_start3A_316 = tpu.memref_squeeze %dma_start3A_315 : memref<1x64xi32, #tpu.memory_space<hbm>> -> memref<64xi32, #tpu.memory_space<hbm>>
      tpu.enqueue_dma source(%dma_start3A_316 : memref<64xi32, #tpu.memory_space<hbm>>) target(%arg14 : memref<64xi32, #tpu.memory_space<vmem>>) target_semaphore(%run_scoped3A : memref<!tpu.dma_semaphore, #tpu.memory_space<semaphore_mem>>)
      %dma_wait3A_317 = tpu.memref_slice %arg4[%select_n3A, %mul3A_32] : memref<4x512xi32, #tpu.memory_space<hbm>> -> memref<1x64xi32, #tpu.memory_space<hbm>>
      %dma_wait3A_318 = tpu.memref_squeeze %dma_wait3A_317 : memref<1x64xi32, #tpu.memory_space<hbm>> -> memref<64xi32, #tpu.memory_space<hbm>>
      %dma_wait3A_319 = tpu.memref_slice %arg4[%select_n3A, %mul3A_32] : memref<4x512xi32, #tpu.memory_space<hbm>> -> memref<1x64xi32, #tpu.memory_space<hbm>>
      %dma_wait3A_320 = tpu.memref_squeeze %dma_wait3A_319 : memref<1x64xi32, #tpu.memory_space<hbm>> -> memref<64xi32, #tpu.memory_space<hbm>>
      tpu.wait_dma2 semaphore(%run_scoped3A : memref<!tpu.dma_semaphore, #tpu.memory_space<semaphore_mem>>) src(%dma_wait3A_320 : memref<64xi32, #tpu.memory_space<hbm>>) dst(%arg14 : memref<64xi32, #tpu.memory_space<vmem>>)
      tpu.yield
    }) : () -> ()
    %dma_start3A = arith.constant 0 : i32
    %dma_start3A_33 = arith.constant 0 : i32
    %dma_start3A_34 = arith.constant 0 : i32
    %dma_start3A_35 = tpu.memref_slice %arg15[%dma_start3A_33, %dma_start3A_34] : memref<64x1024xf32, #tpu.memory_space<vmem>> -> memref<16x1024xf32, #tpu.memory_space<vmem>>
    %dma_start3A_36 = arith.constant 0 : i32
    %dma_start3A_37 = tpu.memref_slice %arg14[%dma_start3A_36] : memref<64xi32, #tpu.memory_space<vmem>> -> memref<16xi32, #tpu.memory_space<vmem>>
    %dma_start3A_38 = arith.constant 0 : i32
    %dma_start3A_39 = arith.constant 0 : i32
    %dma_start3A_40 = tpu.memref_slice %arg2[%select_n3A, %dma_start3A_38, %dma_start3A_39] : memref<4x4096x1024xf32, #tpu.memory_space<hbm>> -> memref<1x4096x1024xf32, #tpu.memory_space<hbm>>
    %dma_start3A_41 = tpu.memref_squeeze %dma_start3A_40 : memref<1x4096x1024xf32, #tpu.memory_space<hbm>> -> memref<4096x1024xf32, #tpu.memory_space<hbm>>
    %dma_start3A_42 = arith.constant 0 : i32
    %dma_start3A_43 = arith.constant 0 : i32
    %dma_start3A_44 = tpu.memref_slice %dma_start3A_41[%dma_start3A_42, %dma_start3A_43] : memref<4096x1024xf32, #tpu.memory_space<hbm>> -> memref<4096x1024xf32, #tpu.memory_space<hbm>>
    %dma_start3A_45 = tpu.memref_slice %arg21[%dma_start3A] : memref<8x!tpu.dma_semaphore, #tpu.memory_space<semaphore_mem>> -> memref<1x!tpu.dma_semaphore, #tpu.memory_space<semaphore_mem>>
    %dma_start3A_46 = tpu.memref_squeeze %dma_start3A_45 : memref<1x!tpu.dma_semaphore, #tpu.memory_space<semaphore_mem>> -> memref<!tpu.dma_semaphore, #tpu.memory_space<semaphore_mem>>
    tpu.enqueue_indirect_dma source(%dma_start3A_44 : memref<4096x1024xf32, #tpu.memory_space<hbm>>) target(%dma_start3A_35 : memref<16x1024xf32, #tpu.memory_space<vmem>>) offsets(%dma_start3A_37 : memref<16xi32, #tpu.memory_space<vmem>>) semaphore(%dma_start3A_46 : memref<!tpu.dma_semaphore, #tpu.memory_space<semaphore_mem>>)
    %dma_start3A_47 = arith.constant 1 : i32
    %dma_start3A_48 = arith.constant 0 : i32
    %dma_start3A_49 = arith.constant 0 : i32
    %dma_start3A_50 = tpu.memref_slice %arg16[%dma_start3A_48, %dma_start3A_49] : memref<64x256xf32, #tpu.memory_space<vmem>> -> memref<16x256xf32, #tpu.memory_space<vmem>>
    %dma_start3A_51 = arith.constant 0 : i32
    %dma_start3A_52 = tpu.memref_slice %arg14[%dma_start3A_51] : memref<64xi32, #tpu.memory_space<vmem>> -> memref<16xi32, #tpu.memory_space<vmem>>
    %dma_start3A_53 = arith.constant 0 : i32
    %dma_start3A_54 = arith.constant 0 : i32
    %dma_start3A_55 = tpu.memref_slice %arg3[%select_n3A, %dma_start3A_53, %dma_start3A_54] : memref<4x4096x256xf32, #tpu.memory_space<hbm>> -> memref<1x4096x256xf32, #tpu.memory_space<hbm>>
    %dma_start3A_56 = tpu.memref_squeeze %dma_start3A_55 : memref<1x4096x256xf32, #tpu.memory_space<hbm>> -> memref<4096x256xf32, #tpu.memory_space<hbm>>
    %dma_start3A_57 = arith.constant 0 : i32
    %dma_start3A_58 = arith.constant 0 : i32
    %dma_start3A_59 = tpu.memref_slice %dma_start3A_56[%dma_start3A_57, %dma_start3A_58] : memref<4096x256xf32, #tpu.memory_space<hbm>> -> memref<4096x256xf32, #tpu.memory_space<hbm>>
    %dma_start3A_60 = tpu.memref_slice %arg21[%dma_start3A_47] : memref<8x!tpu.dma_semaphore, #tpu.memory_space<semaphore_mem>> -> memref<1x!tpu.dma_semaphore, #tpu.memory_space<semaphore_mem>>
    %dma_start3A_61 = tpu.memref_squeeze %dma_start3A_60 : memref<1x!tpu.dma_semaphore, #tpu.memory_space<semaphore_mem>> -> memref<!tpu.dma_semaphore, #tpu.memory_space<semaphore_mem>>
    tpu.enqueue_indirect_dma source(%dma_start3A_59 : memref<4096x256xf32, #tpu.memory_space<hbm>>) target(%dma_start3A_50 : memref<16x256xf32, #tpu.memory_space<vmem>>) offsets(%dma_start3A_52 : memref<16xi32, #tpu.memory_space<vmem>>) semaphore(%dma_start3A_61 : memref<!tpu.dma_semaphore, #tpu.memory_space<semaphore_mem>>)
    %dma_start3A_62 = arith.constant 2 : i32
    %dma_start3A_63 = arith.constant 16 : i32
    %dma_start3A_64 = arith.constant 0 : i32
    %dma_start3A_65 = tpu.memref_slice %arg15[%dma_start3A_63, %dma_start3A_64] : memref<64x1024xf32, #tpu.memory_space<vmem>> -> memref<16x1024xf32, #tpu.memory_space<vmem>>
    %dma_start3A_66 = arith.constant 16 : i32
    %dma_start3A_67 = tpu.memref_slice %arg14[%dma_start3A_66] : memref<64xi32, #tpu.memory_space<vmem>> -> memref<16xi32, #tpu.memory_space<vmem>>
    %dma_start3A_68 = arith.constant 0 : i32
    %dma_start3A_69 = arith.constant 0 : i32
    %dma_start3A_70 = tpu.memref_slice %arg2[%select_n3A, %dma_start3A_68, %dma_start3A_69] : memref<4x4096x1024xf32, #tpu.memory_space<hbm>> -> memref<1x4096x1024xf32, #tpu.memory_space<hbm>>
    %dma_start3A_71 = tpu.memref_squeeze %dma_start3A_70 : memref<1x4096x1024xf32, #tpu.memory_space<hbm>> -> memref<4096x1024xf32, #tpu.memory_space<hbm>>
    %dma_start3A_72 = arith.constant 0 : i32
    %dma_start3A_73 = arith.constant 0 : i32
    %dma_start3A_74 = tpu.memref_slice %dma_start3A_71[%dma_start3A_72, %dma_start3A_73] : memref<4096x1024xf32, #tpu.memory_space<hbm>> -> memref<4096x1024xf32, #tpu.memory_space<hbm>>
    %dma_start3A_75 = tpu.memref_slice %arg21[%dma_start3A_62] : memref<8x!tpu.dma_semaphore, #tpu.memory_space<semaphore_mem>> -> memref<1x!tpu.dma_semaphore, #tpu.memory_space<semaphore_mem>>
    %dma_start3A_76 = tpu.memref_squeeze %dma_start3A_75 : memref<1x!tpu.dma_semaphore, #tpu.memory_space<semaphore_mem>> -> memref<!tpu.dma_semaphore, #tpu.memory_space<semaphore_mem>>
    tpu.enqueue_indirect_dma source(%dma_start3A_74 : memref<4096x1024xf32, #tpu.memory_space<hbm>>) target(%dma_start3A_65 : memref<16x1024xf32, #tpu.memory_space<vmem>>) offsets(%dma_start3A_67 : memref<16xi32, #tpu.memory_space<vmem>>) semaphore(%dma_start3A_76 : memref<!tpu.dma_semaphore, #tpu.memory_space<semaphore_mem>>)
    %dma_start3A_77 = arith.constant 3 : i32
    %dma_start3A_78 = arith.constant 16 : i32
    %dma_start3A_79 = arith.constant 0 : i32
    %dma_start3A_80 = tpu.memref_slice %arg16[%dma_start3A_78, %dma_start3A_79] : memref<64x256xf32, #tpu.memory_space<vmem>> -> memref<16x256xf32, #tpu.memory_space<vmem>>
    %dma_start3A_81 = arith.constant 16 : i32
    %dma_start3A_82 = tpu.memref_slice %arg14[%dma_start3A_81] : memref<64xi32, #tpu.memory_space<vmem>> -> memref<16xi32, #tpu.memory_space<vmem>>
    %dma_start3A_83 = arith.constant 0 : i32
    %dma_start3A_84 = arith.constant 0 : i32
    %dma_start3A_85 = tpu.memref_slice %arg3[%select_n3A, %dma_start3A_83, %dma_start3A_84] : memref<4x4096x256xf32, #tpu.memory_space<hbm>> -> memref<1x4096x256xf32, #tpu.memory_space<hbm>>
    %dma_start3A_86 = tpu.memref_squeeze %dma_start3A_85 : memref<1x4096x256xf32, #tpu.memory_space<hbm>> -> memref<4096x256xf32, #tpu.memory_space<hbm>>
    %dma_start3A_87 = arith.constant 0 : i32
    %dma_start3A_88 = arith.constant 0 : i32
    %dma_start3A_89 = tpu.memref_slice %dma_start3A_86[%dma_start3A_87, %dma_start3A_88] : memref<4096x256xf32, #tpu.memory_space<hbm>> -> memref<4096x256xf32, #tpu.memory_space<hbm>>
    %dma_start3A_90 = tpu.memref_slice %arg21[%dma_start3A_77] : memref<8x!tpu.dma_semaphore, #tpu.memory_space<semaphore_mem>> -> memref<1x!tpu.dma_semaphore, #tpu.memory_space<semaphore_mem>>
    %dma_start3A_91 = tpu.memref_squeeze %dma_start3A_90 : memref<1x!tpu.dma_semaphore, #tpu.memory_space<semaphore_mem>> -> memref<!tpu.dma_semaphore, #tpu.memory_space<semaphore_mem>>
    tpu.enqueue_indirect_dma source(%dma_start3A_89 : memref<4096x256xf32, #tpu.memory_space<hbm>>) target(%dma_start3A_80 : memref<16x256xf32, #tpu.memory_space<vmem>>) offsets(%dma_start3A_82 : memref<16xi32, #tpu.memory_space<vmem>>) semaphore(%dma_start3A_91 : memref<!tpu.dma_semaphore, #tpu.memory_space<semaphore_mem>>)
    %dma_start3A_92 = arith.constant 4 : i32
    %dma_start3A_93 = arith.constant 32 : i32
    %dma_start3A_94 = arith.constant 0 : i32
    %dma_start3A_95 = tpu.memref_slice %arg15[%dma_start3A_93, %dma_start3A_94] : memref<64x1024xf32, #tpu.memory_space<vmem>> -> memref<16x1024xf32, #tpu.memory_space<vmem>>
    %dma_start3A_96 = arith.constant 32 : i32
    %dma_start3A_97 = tpu.memref_slice %arg14[%dma_start3A_96] : memref<64xi32, #tpu.memory_space<vmem>> -> memref<16xi32, #tpu.memory_space<vmem>>
    %dma_start3A_98 = arith.constant 0 : i32
    %dma_start3A_99 = arith.constant 0 : i32
    %dma_start3A_100 = tpu.memref_slice %arg2[%select_n3A, %dma_start3A_98, %dma_start3A_99] : memref<4x4096x1024xf32, #tpu.memory_space<hbm>> -> memref<1x4096x1024xf32, #tpu.memory_space<hbm>>
    %dma_start3A_101 = tpu.memref_squeeze %dma_start3A_100 : memref<1x4096x1024xf32, #tpu.memory_space<hbm>> -> memref<4096x1024xf32, #tpu.memory_space<hbm>>
    %dma_start3A_102 = arith.constant 0 : i32
    %dma_start3A_103 = arith.constant 0 : i32
    %dma_start3A_104 = tpu.memref_slice %dma_start3A_101[%dma_start3A_102, %dma_start3A_103] : memref<4096x1024xf32, #tpu.memory_space<hbm>> -> memref<4096x1024xf32, #tpu.memory_space<hbm>>
    %dma_start3A_105 = tpu.memref_slice %arg21[%dma_start3A_92] : memref<8x!tpu.dma_semaphore, #tpu.memory_space<semaphore_mem>> -> memref<1x!tpu.dma_semaphore, #tpu.memory_space<semaphore_mem>>
    %dma_start3A_106 = tpu.memref_squeeze %dma_start3A_105 : memref<1x!tpu.dma_semaphore, #tpu.memory_space<semaphore_mem>> -> memref<!tpu.dma_semaphore, #tpu.memory_space<semaphore_mem>>
    tpu.enqueue_indirect_dma source(%dma_start3A_104 : memref<4096x1024xf32, #tpu.memory_space<hbm>>) target(%dma_start3A_95 : memref<16x1024xf32, #tpu.memory_space<vmem>>) offsets(%dma_start3A_97 : memref<16xi32, #tpu.memory_space<vmem>>) semaphore(%dma_start3A_106 : memref<!tpu.dma_semaphore, #tpu.memory_space<semaphore_mem>>)
    %dma_start3A_107 = arith.constant 5 : i32
    %dma_start3A_108 = arith.constant 32 : i32
    %dma_start3A_109 = arith.constant 0 : i32
    %dma_start3A_110 = tpu.memref_slice %arg16[%dma_start3A_108, %dma_start3A_109] : memref<64x256xf32, #tpu.memory_space<vmem>> -> memref<16x256xf32, #tpu.memory_space<vmem>>
    %dma_start3A_111 = arith.constant 32 : i32
    %dma_start3A_112 = tpu.memref_slice %arg14[%dma_start3A_111] : memref<64xi32, #tpu.memory_space<vmem>> -> memref<16xi32, #tpu.memory_space<vmem>>
    %dma_start3A_113 = arith.constant 0 : i32
    %dma_start3A_114 = arith.constant 0 : i32
    %dma_start3A_115 = tpu.memref_slice %arg3[%select_n3A, %dma_start3A_113, %dma_start3A_114] : memref<4x4096x256xf32, #tpu.memory_space<hbm>> -> memref<1x4096x256xf32, #tpu.memory_space<hbm>>
    %dma_start3A_116 = tpu.memref_squeeze %dma_start3A_115 : memref<1x4096x256xf32, #tpu.memory_space<hbm>> -> memref<4096x256xf32, #tpu.memory_space<hbm>>
    %dma_start3A_117 = arith.constant 0 : i32
    %dma_start3A_118 = arith.constant 0 : i32
    %dma_start3A_119 = tpu.memref_slice %dma_start3A_116[%dma_start3A_117, %dma_start3A_118] : memref<4096x256xf32, #tpu.memory_space<hbm>> -> memref<4096x256xf32, #tpu.memory_space<hbm>>
    %dma_start3A_120 = tpu.memref_slice %arg21[%dma_start3A_107] : memref<8x!tpu.dma_semaphore, #tpu.memory_space<semaphore_mem>> -> memref<1x!tpu.dma_semaphore, #tpu.memory_space<semaphore_mem>>
    %dma_start3A_121 = tpu.memref_squeeze %dma_start3A_120 : memref<1x!tpu.dma_semaphore, #tpu.memory_space<semaphore_mem>> -> memref<!tpu.dma_semaphore, #tpu.memory_space<semaphore_mem>>
    tpu.enqueue_indirect_dma source(%dma_start3A_119 : memref<4096x256xf32, #tpu.memory_space<hbm>>) target(%dma_start3A_110 : memref<16x256xf32, #tpu.memory_space<vmem>>) offsets(%dma_start3A_112 : memref<16xi32, #tpu.memory_space<vmem>>) semaphore(%dma_start3A_121 : memref<!tpu.dma_semaphore, #tpu.memory_space<semaphore_mem>>)
    %dma_start3A_122 = arith.constant 6 : i32
    %dma_start3A_123 = arith.constant 48 : i32
    %dma_start3A_124 = arith.constant 0 : i32
    %dma_start3A_125 = tpu.memref_slice %arg15[%dma_start3A_123, %dma_start3A_124] : memref<64x1024xf32, #tpu.memory_space<vmem>> -> memref<16x1024xf32, #tpu.memory_space<vmem>>
    %dma_start3A_126 = arith.constant 48 : i32
    %dma_start3A_127 = tpu.memref_slice %arg14[%dma_start3A_126] : memref<64xi32, #tpu.memory_space<vmem>> -> memref<16xi32, #tpu.memory_space<vmem>>
    %dma_start3A_128 = arith.constant 0 : i32
    %dma_start3A_129 = arith.constant 0 : i32
    %dma_start3A_130 = tpu.memref_slice %arg2[%select_n3A, %dma_start3A_128, %dma_start3A_129] : memref<4x4096x1024xf32, #tpu.memory_space<hbm>> -> memref<1x4096x1024xf32, #tpu.memory_space<hbm>>
    %dma_start3A_131 = tpu.memref_squeeze %dma_start3A_130 : memref<1x4096x1024xf32, #tpu.memory_space<hbm>> -> memref<4096x1024xf32, #tpu.memory_space<hbm>>
    %dma_start3A_132 = arith.constant 0 : i32
    %dma_start3A_133 = arith.constant 0 : i32
    %dma_start3A_134 = tpu.memref_slice %dma_start3A_131[%dma_start3A_132, %dma_start3A_133] : memref<4096x1024xf32, #tpu.memory_space<hbm>> -> memref<4096x1024xf32, #tpu.memory_space<hbm>>
    %dma_start3A_135 = tpu.memref_slice %arg21[%dma_start3A_122] : memref<8x!tpu.dma_semaphore, #tpu.memory_space<semaphore_mem>> -> memref<1x!tpu.dma_semaphore, #tpu.memory_space<semaphore_mem>>
    %dma_start3A_136 = tpu.memref_squeeze %dma_start3A_135 : memref<1x!tpu.dma_semaphore, #tpu.memory_space<semaphore_mem>> -> memref<!tpu.dma_semaphore, #tpu.memory_space<semaphore_mem>>
    tpu.enqueue_indirect_dma source(%dma_start3A_134 : memref<4096x1024xf32, #tpu.memory_space<hbm>>) target(%dma_start3A_125 : memref<16x1024xf32, #tpu.memory_space<vmem>>) offsets(%dma_start3A_127 : memref<16xi32, #tpu.memory_space<vmem>>) semaphore(%dma_start3A_136 : memref<!tpu.dma_semaphore, #tpu.memory_space<semaphore_mem>>)
    %dma_start3A_137 = arith.constant 7 : i32
    %dma_start3A_138 = arith.constant 48 : i32
    %dma_start3A_139 = arith.constant 0 : i32
    %dma_start3A_140 = tpu.memref_slice %arg16[%dma_start3A_138, %dma_start3A_139] : memref<64x256xf32, #tpu.memory_space<vmem>> -> memref<16x256xf32, #tpu.memory_space<vmem>>
    %dma_start3A_141 = arith.constant 48 : i32
    %dma_start3A_142 = tpu.memref_slice %arg14[%dma_start3A_141] : memref<64xi32, #tpu.memory_space<vmem>> -> memref<16xi32, #tpu.memory_space<vmem>>
    %dma_start3A_143 = arith.constant 0 : i32
    %dma_start3A_144 = arith.constant 0 : i32
    %dma_start3A_145 = tpu.memref_slice %arg3[%select_n3A, %dma_start3A_143, %dma_start3A_144] : memref<4x4096x256xf32, #tpu.memory_space<hbm>> -> memref<1x4096x256xf32, #tpu.memory_space<hbm>>
    %dma_start3A_146 = tpu.memref_squeeze %dma_start3A_145 : memref<1x4096x256xf32, #tpu.memory_space<hbm>> -> memref<4096x256xf32, #tpu.memory_space<hbm>>
    %dma_start3A_147 = arith.constant 0 : i32
    %dma_start3A_148 = arith.constant 0 : i32
    %dma_start3A_149 = tpu.memref_slice %dma_start3A_146[%dma_start3A_147, %dma_start3A_148] : memref<4096x256xf32, #tpu.memory_space<hbm>> -> memref<4096x256xf32, #tpu.memory_space<hbm>>
    %dma_start3A_150 = tpu.memref_slice %arg21[%dma_start3A_137] : memref<8x!tpu.dma_semaphore, #tpu.memory_space<semaphore_mem>> -> memref<1x!tpu.dma_semaphore, #tpu.memory_space<semaphore_mem>>
    %dma_start3A_151 = tpu.memref_squeeze %dma_start3A_150 : memref<1x!tpu.dma_semaphore, #tpu.memory_space<semaphore_mem>> -> memref<!tpu.dma_semaphore, #tpu.memory_space<semaphore_mem>>
    tpu.enqueue_indirect_dma source(%dma_start3A_149 : memref<4096x256xf32, #tpu.memory_space<hbm>>) target(%dma_start3A_140 : memref<16x256xf32, #tpu.memory_space<vmem>>) offsets(%dma_start3A_142 : memref<16xi32, #tpu.memory_space<vmem>>) semaphore(%dma_start3A_151 : memref<!tpu.dma_semaphore, #tpu.memory_space<semaphore_mem>>)
    %dma_start3A_152 = arith.constant 0 : i32
    %dma_start3A_153 = arith.constant 0 : i32
    %dma_start3A_154 = tpu.memref_slice %arg17[%dma_start3A_153] : memref<2560xf32, #tpu.memory_space<vmem>> -> memref<1024xf32, #tpu.memory_space<vmem>>
    %dma_start3A_155 = arith.constant 0 : i32
    %dma_start3A_156 = tpu.memref_slice %arg5[%dma_start3A_152, %dma_start3A_155] : memref<1x1024xf32, #tpu.memory_space<hbm>> -> memref<1x1024xf32, #tpu.memory_space<hbm>>
    %dma_start3A_157 = tpu.memref_squeeze %dma_start3A_156 : memref<1x1024xf32, #tpu.memory_space<hbm>> -> memref<1024xf32, #tpu.memory_space<hbm>>
    %dma_start3A_158 = arith.constant 0 : i32
    %dma_start3A_159 = tpu.memref_slice %arg17[%dma_start3A_158] : memref<2560xf32, #tpu.memory_space<vmem>> -> memref<1024xf32, #tpu.memory_space<vmem>>
    %dma_start3A_160 = arith.constant 0 : i32
    %dma_start3A_161 = tpu.memref_slice %arg5[%dma_start3A_152, %dma_start3A_160] : memref<1x1024xf32, #tpu.memory_space<hbm>> -> memref<1x1024xf32, #tpu.memory_space<hbm>>
    %dma_start3A_162 = tpu.memref_squeeze %dma_start3A_161 : memref<1x1024xf32, #tpu.memory_space<hbm>> -> memref<1024xf32, #tpu.memory_space<hbm>>
    tpu.enqueue_dma source(%dma_start3A_162 : memref<1024xf32, #tpu.memory_space<hbm>>) target(%dma_start3A_159 : memref<1024xf32, #tpu.memory_space<vmem>>) target_semaphore(%arg22 : memref<!tpu.dma_semaphore, #tpu.memory_space<semaphore_mem>>)
    %dma_start3A_163 = arith.constant 0 : i32
    %dma_start3A_164 = arith.constant 1024 : i32
    %dma_start3A_165 = tpu.memref_slice %arg17[%dma_start3A_164] : memref<2560xf32, #tpu.memory_space<vmem>> -> memref<256xf32, #tpu.memory_space<vmem>>
    %dma_start3A_166 = arith.constant 0 : i32
    %dma_start3A_167 = tpu.memref_slice %arg6[%dma_start3A_163, %dma_start3A_166] : memref<1x256xf32, #tpu.memory_space<hbm>> -> memref<1x256xf32, #tpu.memory_space<hbm>>
    %dma_start3A_168 = tpu.memref_squeeze %dma_start3A_167 : memref<1x256xf32, #tpu.memory_space<hbm>> -> memref<256xf32, #tpu.memory_space<hbm>>
    %dma_start3A_169 = arith.constant 1024 : i32
    %dma_start3A_170 = tpu.memref_slice %arg17[%dma_start3A_169] : memref<2560xf32, #tpu.memory_space<vmem>> -> memref<256xf32, #tpu.memory_space<vmem>>
    %dma_start3A_171 = arith.constant 0 : i32
    %dma_start3A_172 = tpu.memref_slice %arg6[%dma_start3A_163, %dma_start3A_171] : memref<1x256xf32, #tpu.memory_space<hbm>> -> memref<1x256xf32, #tpu.memory_space<hbm>>
    %dma_start3A_173 = tpu.memref_squeeze %dma_start3A_172 : memref<1x256xf32, #tpu.memory_space<hbm>> -> memref<256xf32, #tpu.memory_space<hbm>>
    tpu.enqueue_dma source(%dma_start3A_173 : memref<256xf32, #tpu.memory_space<hbm>>) target(%dma_start3A_170 : memref<256xf32, #tpu.memory_space<vmem>>) target_semaphore(%arg22 : memref<!tpu.dma_semaphore, #tpu.memory_space<semaphore_mem>>)
    %dma_start3A_174 = arith.constant 0 : i32
    %dma_start3A_175 = arith.constant 1280 : i32
    %dma_start3A_176 = tpu.memref_slice %arg17[%dma_start3A_175] : memref<2560xf32, #tpu.memory_space<vmem>> -> memref<1024xf32, #tpu.memory_space<vmem>>
    %dma_start3A_177 = arith.constant 0 : i32
    %dma_start3A_178 = tpu.memref_slice %arg7[%dma_start3A_174, %dma_start3A_177] : memref<1x1024xf32, #tpu.memory_space<hbm>> -> memref<1x1024xf32, #tpu.memory_space<hbm>>
    %dma_start3A_179 = tpu.memref_squeeze %dma_start3A_178 : memref<1x1024xf32, #tpu.memory_space<hbm>> -> memref<1024xf32, #tpu.memory_space<hbm>>
    %dma_start3A_180 = arith.constant 1280 : i32
    %dma_start3A_181 = tpu.memref_slice %arg17[%dma_start3A_180] : memref<2560xf32, #tpu.memory_space<vmem>> -> memref<1024xf32, #tpu.memory_space<vmem>>
    %dma_start3A_182 = arith.constant 0 : i32
    %dma_start3A_183 = tpu.memref_slice %arg7[%dma_start3A_174, %dma_start3A_182] : memref<1x1024xf32, #tpu.memory_space<hbm>> -> memref<1x1024xf32, #tpu.memory_space<hbm>>
    %dma_start3A_184 = tpu.memref_squeeze %dma_start3A_183 : memref<1x1024xf32, #tpu.memory_space<hbm>> -> memref<1024xf32, #tpu.memory_space<hbm>>
    tpu.enqueue_dma source(%dma_start3A_184 : memref<1024xf32, #tpu.memory_space<hbm>>) target(%dma_start3A_181 : memref<1024xf32, #tpu.memory_space<vmem>>) target_semaphore(%arg22 : memref<!tpu.dma_semaphore, #tpu.memory_space<semaphore_mem>>)
    %dma_start3A_185 = arith.constant 0 : i32
    %dma_start3A_186 = arith.constant 2304 : i32
    %dma_start3A_187 = tpu.memref_slice %arg17[%dma_start3A_186] : memref<2560xf32, #tpu.memory_space<vmem>> -> memref<256xf32, #tpu.memory_space<vmem>>
    %dma_start3A_188 = arith.constant 0 : i32
    %dma_start3A_189 = tpu.memref_slice %arg8[%dma_start3A_185, %dma_start3A_188] : memref<1x256xf32, #tpu.memory_space<hbm>> -> memref<1x256xf32, #tpu.memory_space<hbm>>
    %dma_start3A_190 = tpu.memref_squeeze %dma_start3A_189 : memref<1x256xf32, #tpu.memory_space<hbm>> -> memref<256xf32, #tpu.memory_space<hbm>>
    %dma_start3A_191 = arith.constant 2304 : i32
    %dma_start3A_192 = tpu.memref_slice %arg17[%dma_start3A_191] : memref<2560xf32, #tpu.memory_space<vmem>> -> memref<256xf32, #tpu.memory_space<vmem>>
    %dma_start3A_193 = arith.constant 0 : i32
    %dma_start3A_194 = tpu.memref_slice %arg8[%dma_start3A_185, %dma_start3A_193] : memref<1x256xf32, #tpu.memory_space<hbm>> -> memref<1x256xf32, #tpu.memory_space<hbm>>
    %dma_start3A_195 = tpu.memref_squeeze %dma_start3A_194 : memref<1x256xf32, #tpu.memory_space<hbm>> -> memref<256xf32, #tpu.memory_space<hbm>>
    tpu.enqueue_dma source(%dma_start3A_195 : memref<256xf32, #tpu.memory_space<hbm>>) target(%dma_start3A_192 : memref<256xf32, #tpu.memory_space<vmem>>) target_semaphore(%arg22 : memref<!tpu.dma_semaphore, #tpu.memory_space<semaphore_mem>>)
    %dma_start3A_196 = arith.constant 0 : i32
    %dma_start3A_197 = tpu.memref_slice %arg18[%dma_start3A_196] : memref<64xf32, #tpu.memory_space<vmem>> -> memref<1xf32, #tpu.memory_space<vmem>>
    %dma_start3A_198 = arith.constant 0 : i32
    %dma_start3A_199 = tpu.memref_slice %arg18[%dma_start3A_198] : memref<64xf32, #tpu.memory_space<vmem>> -> memref<1xf32, #tpu.memory_space<vmem>>
    tpu.enqueue_dma source(%arg9 : memref<1xf32, #tpu.memory_space<hbm>>) target(%dma_start3A_199 : memref<1xf32, #tpu.memory_space<vmem>>) target_semaphore(%arg22 : memref<!tpu.dma_semaphore, #tpu.memory_space<semaphore_mem>>)
    %dma_start3A_200 = arith.constant 16 : i32
    %dma_start3A_201 = tpu.memref_slice %arg18[%dma_start3A_200] : memref<64xf32, #tpu.memory_space<vmem>> -> memref<1xf32, #tpu.memory_space<vmem>>
    %dma_start3A_202 = arith.constant 16 : i32
    %dma_start3A_203 = tpu.memref_slice %arg18[%dma_start3A_202] : memref<64xf32, #tpu.memory_space<vmem>> -> memref<1xf32, #tpu.memory_space<vmem>>
    tpu.enqueue_dma source(%arg10 : memref<1xf32, #tpu.memory_space<hbm>>) target(%dma_start3A_203 : memref<1xf32, #tpu.memory_space<vmem>>) target_semaphore(%arg22 : memref<!tpu.dma_semaphore, #tpu.memory_space<semaphore_mem>>)
    %dma_start3A_204 = arith.constant 32 : i32
    %dma_start3A_205 = tpu.memref_slice %arg18[%dma_start3A_204] : memref<64xf32, #tpu.memory_space<vmem>> -> memref<1xf32, #tpu.memory_space<vmem>>
    %dma_start3A_206 = arith.constant 32 : i32
    %dma_start3A_207 = tpu.memref_slice %arg18[%dma_start3A_206] : memref<64xf32, #tpu.memory_space<vmem>> -> memref<1xf32, #tpu.memory_space<vmem>>
    tpu.enqueue_dma source(%arg11 : memref<1xf32, #tpu.memory_space<hbm>>) target(%dma_start3A_207 : memref<1xf32, #tpu.memory_space<vmem>>) target_semaphore(%arg22 : memref<!tpu.dma_semaphore, #tpu.memory_space<semaphore_mem>>)
    %dma_start3A_208 = arith.constant 48 : i32
    %dma_start3A_209 = tpu.memref_slice %arg18[%dma_start3A_208] : memref<64xf32, #tpu.memory_space<vmem>> -> memref<1xf32, #tpu.memory_space<vmem>>
    %dma_start3A_210 = arith.constant 48 : i32
    %dma_start3A_211 = tpu.memref_slice %arg18[%dma_start3A_210] : memref<64xf32, #tpu.memory_space<vmem>> -> memref<1xf32, #tpu.memory_space<vmem>>
    tpu.enqueue_dma source(%arg12 : memref<1xf32, #tpu.memory_space<hbm>>) target(%dma_start3A_211 : memref<1xf32, #tpu.memory_space<vmem>>) target_semaphore(%arg22 : memref<!tpu.dma_semaphore, #tpu.memory_space<semaphore_mem>>)
    %dma_wait3A = arith.constant 0 : i32
    %dma_wait3A_212 = arith.constant 0 : i32
    %dma_wait3A_213 = tpu.memref_slice %arg17[%dma_wait3A_212] : memref<2560xf32, #tpu.memory_space<vmem>> -> memref<1024xf32, #tpu.memory_space<vmem>>
    %dma_wait3A_214 = arith.constant 0 : i32
    %dma_wait3A_215 = tpu.memref_slice %arg5[%dma_wait3A, %dma_wait3A_214] : memref<1x1024xf32, #tpu.memory_space<hbm>> -> memref<1x1024xf32, #tpu.memory_space<hbm>>
    %dma_wait3A_216 = tpu.memref_squeeze %dma_wait3A_215 : memref<1x1024xf32, #tpu.memory_space<hbm>> -> memref<1024xf32, #tpu.memory_space<hbm>>
    %dma_wait3A_217 = arith.constant 0 : i32
    %dma_wait3A_218 = tpu.memref_slice %arg17[%dma_wait3A_217] : memref<2560xf32, #tpu.memory_space<vmem>> -> memref<1024xf32, #tpu.memory_space<vmem>>
    %dma_wait3A_219 = arith.constant 0 : i32
    %dma_wait3A_220 = tpu.memref_slice %arg5[%dma_wait3A, %dma_wait3A_219] : memref<1x1024xf32, #tpu.memory_space<hbm>> -> memref<1x1024xf32, #tpu.memory_space<hbm>>
    %dma_wait3A_221 = tpu.memref_squeeze %dma_wait3A_220 : memref<1x1024xf32, #tpu.memory_space<hbm>> -> memref<1024xf32, #tpu.memory_space<hbm>>
    tpu.wait_dma2 semaphore(%arg22 : memref<!tpu.dma_semaphore, #tpu.memory_space<semaphore_mem>>) src(%dma_wait3A_221 : memref<1024xf32, #tpu.memory_space<hbm>>) dst(%dma_wait3A_218 : memref<1024xf32, #tpu.memory_space<vmem>>)
    %dma_wait3A_222 = arith.constant 0 : i32
    %dma_wait3A_223 = arith.constant 1024 : i32
    %dma_wait3A_224 = tpu.memref_slice %arg17[%dma_wait3A_223] : memref<2560xf32, #tpu.memory_space<vmem>> -> memref<256xf32, #tpu.memory_space<vmem>>
    %dma_wait3A_225 = arith.constant 0 : i32
    %dma_wait3A_226 = tpu.memref_slice %arg6[%dma_wait3A_222, %dma_wait3A_225] : memref<1x256xf32, #tpu.memory_space<hbm>> -> memref<1x256xf32, #tpu.memory_space<hbm>>
    %dma_wait3A_227 = tpu.memref_squeeze %dma_wait3A_226 : memref<1x256xf32, #tpu.memory_space<hbm>> -> memref<256xf32, #tpu.memory_space<hbm>>
    %dma_wait3A_228 = arith.constant 1024 : i32
    %dma_wait3A_229 = tpu.memref_slice %arg17[%dma_wait3A_228] : memref<2560xf32, #tpu.memory_space<vmem>> -> memref<256xf32, #tpu.memory_space<vmem>>
    %dma_wait3A_230 = arith.constant 0 : i32
    %dma_wait3A_231 = tpu.memref_slice %arg6[%dma_wait3A_222, %dma_wait3A_230] : memref<1x256xf32, #tpu.memory_space<hbm>> -> memref<1x256xf32, #tpu.memory_space<hbm>>
    %dma_wait3A_232 = tpu.memref_squeeze %dma_wait3A_231 : memref<1x256xf32, #tpu.memory_space<hbm>> -> memref<256xf32, #tpu.memory_space<hbm>>
    tpu.wait_dma2 semaphore(%arg22 : memref<!tpu.dma_semaphore, #tpu.memory_space<semaphore_mem>>) src(%dma_wait3A_232 : memref<256xf32, #tpu.memory_space<hbm>>) dst(%dma_wait3A_229 : memref<256xf32, #tpu.memory_space<vmem>>)
    %dma_wait3A_233 = arith.constant 0 : i32
    %dma_wait3A_234 = arith.constant 1280 : i32
    %dma_wait3A_235 = tpu.memref_slice %arg17[%dma_wait3A_234] : memref<2560xf32, #tpu.memory_space<vmem>> -> memref<1024xf32, #tpu.memory_space<vmem>>
    %dma_wait3A_236 = arith.constant 0 : i32
    %dma_wait3A_237 = tpu.memref_slice %arg7[%dma_wait3A_233, %dma_wait3A_236] : memref<1x1024xf32, #tpu.memory_space<hbm>> -> memref<1x1024xf32, #tpu.memory_space<hbm>>
    %dma_wait3A_238 = tpu.memref_squeeze %dma_wait3A_237 : memref<1x1024xf32, #tpu.memory_space<hbm>> -> memref<1024xf32, #tpu.memory_space<hbm>>
    %dma_wait3A_239 = arith.constant 1280 : i32
    %dma_wait3A_240 = tpu.memref_slice %arg17[%dma_wait3A_239] : memref<2560xf32, #tpu.memory_space<vmem>> -> memref<1024xf32, #tpu.memory_space<vmem>>
    %dma_wait3A_241 = arith.constant 0 : i32
    %dma_wait3A_242 = tpu.memref_slice %arg7[%dma_wait3A_233, %dma_wait3A_241] : memref<1x1024xf32, #tpu.memory_space<hbm>> -> memref<1x1024xf32, #tpu.memory_space<hbm>>
    %dma_wait3A_243 = tpu.memref_squeeze %dma_wait3A_242 : memref<1x1024xf32, #tpu.memory_space<hbm>> -> memref<1024xf32, #tpu.memory_space<hbm>>
    tpu.wait_dma2 semaphore(%arg22 : memref<!tpu.dma_semaphore, #tpu.memory_space<semaphore_mem>>) src(%dma_wait3A_243 : memref<1024xf32, #tpu.memory_space<hbm>>) dst(%dma_wait3A_240 : memref<1024xf32, #tpu.memory_space<vmem>>)
    %dma_wait3A_244 = arith.constant 0 : i32
    %dma_wait3A_245 = arith.constant 2304 : i32
    %dma_wait3A_246 = tpu.memref_slice %arg17[%dma_wait3A_245] : memref<2560xf32, #tpu.memory_space<vmem>> -> memref<256xf32, #tpu.memory_space<vmem>>
    %dma_wait3A_247 = arith.constant 0 : i32
    %dma_wait3A_248 = tpu.memref_slice %arg8[%dma_wait3A_244, %dma_wait3A_247] : memref<1x256xf32, #tpu.memory_space<hbm>> -> memref<1x256xf32, #tpu.memory_space<hbm>>
    %dma_wait3A_249 = tpu.memref_squeeze %dma_wait3A_248 : memref<1x256xf32, #tpu.memory_space<hbm>> -> memref<256xf32, #tpu.memory_space<hbm>>
    %dma_wait3A_250 = arith.constant 2304 : i32
    %dma_wait3A_251 = tpu.memref_slice %arg17[%dma_wait3A_250] : memref<2560xf32, #tpu.memory_space<vmem>> -> memref<256xf32, #tpu.memory_space<vmem>>
    %dma_wait3A_252 = arith.constant 0 : i32
    %dma_wait3A_253 = tpu.memref_slice %arg8[%dma_wait3A_244, %dma_wait3A_252] : memref<1x256xf32, #tpu.memory_space<hbm>> -> memref<1x256xf32, #tpu.memory_space<hbm>>
    %dma_wait3A_254 = tpu.memref_squeeze %dma_wait3A_253 : memref<1x256xf32, #tpu.memory_space<hbm>> -> memref<256xf32, #tpu.memory_space<hbm>>
    tpu.wait_dma2 semaphore(%arg22 : memref<!tpu.dma_semaphore, #tpu.memory_space<semaphore_mem>>) src(%dma_wait3A_254 : memref<256xf32, #tpu.memory_space<hbm>>) dst(%dma_wait3A_251 : memref<256xf32, #tpu.memory_space<vmem>>)
    %dma_wait3A_255 = arith.constant 0 : i32
    %dma_wait3A_256 = tpu.memref_slice %arg18[%dma_wait3A_255] : memref<64xf32, #tpu.memory_space<vmem>> -> memref<1xf32, #tpu.memory_space<vmem>>
    %dma_wait3A_257 = arith.constant 0 : i32
    %dma_wait3A_258 = tpu.memref_slice %arg18[%dma_wait3A_257] : memref<64xf32, #tpu.memory_space<vmem>> -> memref<1xf32, #tpu.memory_space<vmem>>
    tpu.wait_dma2 semaphore(%arg22 : memref<!tpu.dma_semaphore, #tpu.memory_space<semaphore_mem>>) src(%arg9 : memref<1xf32, #tpu.memory_space<hbm>>) dst(%dma_wait3A_258 : memref<1xf32, #tpu.memory_space<vmem>>)
    %dma_wait3A_259 = arith.constant 16 : i32
    %dma_wait3A_260 = tpu.memref_slice %arg18[%dma_wait3A_259] : memref<64xf32, #tpu.memory_space<vmem>> -> memref<1xf32, #tpu.memory_space<vmem>>
    %dma_wait3A_261 = arith.constant 16 : i32
    %dma_wait3A_262 = tpu.memref_slice %arg18[%dma_wait3A_261] : memref<64xf32, #tpu.memory_space<vmem>> -> memref<1xf32, #tpu.memory_space<vmem>>
    tpu.wait_dma2 semaphore(%arg22 : memref<!tpu.dma_semaphore, #tpu.memory_space<semaphore_mem>>) src(%arg10 : memref<1xf32, #tpu.memory_space<hbm>>) dst(%dma_wait3A_262 : memref<1xf32, #tpu.memory_space<vmem>>)
    %dma_wait3A_263 = arith.constant 32 : i32
    %dma_wait3A_264 = tpu.memref_slice %arg18[%dma_wait3A_263] : memref<64xf32, #tpu.memory_space<vmem>> -> memref<1xf32, #tpu.memory_space<vmem>>
    %dma_wait3A_265 = arith.constant 32 : i32
    %dma_wait3A_266 = tpu.memref_slice %arg18[%dma_wait3A_265] : memref<64xf32, #tpu.memory_space<vmem>> -> memref<1xf32, #tpu.memory_space<vmem>>
    tpu.wait_dma2 semaphore(%arg22 : memref<!tpu.dma_semaphore, #tpu.memory_space<semaphore_mem>>) src(%arg11 : memref<1xf32, #tpu.memory_space<hbm>>) dst(%dma_wait3A_266 : memref<1xf32, #tpu.memory_space<vmem>>)
    %dma_wait3A_267 = arith.constant 48 : i32
    %dma_wait3A_268 = tpu.memref_slice %arg18[%dma_wait3A_267] : memref<64xf32, #tpu.memory_space<vmem>> -> memref<1xf32, #tpu.memory_space<vmem>>
    %dma_wait3A_269 = arith.constant 48 : i32
    %dma_wait3A_270 = tpu.memref_slice %arg18[%dma_wait3A_269] : memref<64xf32, #tpu.memory_space<vmem>> -> memref<1xf32, #tpu.memory_space<vmem>>
    tpu.wait_dma2 semaphore(%arg22 : memref<!tpu.dma_semaphore, #tpu.memory_space<semaphore_mem>>) src(%arg12 : memref<1xf32, #tpu.memory_space<hbm>>) dst(%dma_wait3A_270 : memref<1xf32, #tpu.memory_space<vmem>>)
    %iota3A = tpu.iota {dimensions = array<i32: 0>} : vector<16xi32>
    %eq3A_271 = arith.constant 0 : i32
    %eq3A_272 = vector.broadcast %eq3A_271 : i32 to vector<16xi32>
    %eq3A_273 = arith.cmpi eq, %iota3A, %eq3A_272 : vector<16xi32>
    %broadcast_in_dim3A = arith.constant 0.000000e+00 : f32
    %broadcast_in_dim3A_274 = vector.broadcast %broadcast_in_dim3A : f32 to vector<16xf32>
    %get3A = arith.constant 0 : index
    %get3A_275 = tpu.vector_load %arg18[%get3A] {strides = array<i32>} : memref<64xf32, #tpu.memory_space<vmem>>, vector<16xf32>,
    %slice3A = vector.extract_strided_slice %get3A_275 {offsets = [0], sizes = [1], strides = [1]} : vector<16xf32> to vector<1xf32>
    %squeeze3A = vector.extract %slice3A[0] : f32 from vector<1xf32>
    %get3A_276 = arith.constant 16 : index
    %get3A_277 = tpu.vector_load %arg18[%get3A_276] {strides = array<i32>} : memref<64xf32, #tpu.memory_space<vmem>>, vector<16xf32>,
    %slice3A_278 = vector.extract_strided_slice %get3A_277 {offsets = [0], sizes = [1], strides = [1]} : vector<16xf32> to vector<1xf32>
    %squeeze3A_279 = vector.extract %slice3A_278[0] : f32 from vector<1xf32>
    %add3A_280 = arith.addf %squeeze3A, %squeeze3A_279 : f32
    %get3A_281 = arith.constant 32 : index
    %get3A_282 = tpu.vector_load %arg18[%get3A_281] {strides = array<i32>} : memref<64xf32, #tpu.memory_space<vmem>>, vector<16xf32>,
    %slice3A_283 = vector.extract_strided_slice %get3A_282 {offsets = [0], sizes = [1], strides = [1]} : vector<16xf32> to vector<1xf32>
    %squeeze3A_284 = vector.extract %slice3A_283[0] : f32 from vector<1xf32>
    %get3A_285 = arith.constant 48 : index
    %get3A_286 = tpu.vector_load %arg18[%get3A_285] {strides = array<i32>} : memref<64xf32, #tpu.memory_space<vmem>>, vector<16xf32>,
    %slice3A_287 = vector.extract_strided_slice %get3A_286 {offsets = [0], sizes = [1], strides = [1]} : vector<16xf32> to vector<1xf32>
    %squeeze3A_288 = vector.extract %slice3A_287[0] : f32 from vector<1xf32>
    %add3A_289 = arith.addf %squeeze3A_284, %squeeze3A_288 : f32
    %scan3A = arith.constant 0 : i32
    %scan3A_290 = arith.constant 0 : i32
    %scan3A_291 = arith.constant 1 : i32
    %scan3A_292 = arith.constant 2 : i32
    %scan3A_293 = arith.constant 3 : i32
    %scan3A_294 = arith.constant 4 : i32
    %scan3A_295 = arith.constant 5 : i32
    %scan3A_296 = arith.constant 6 : i32
    %scan3A_297 = arith.constant 7 : i32
    %scan3A_298 = arith.constant 0 : i32
    %scan3A_299 = arith.constant 4 : i32
    %scan3A_300 = arith.addi %scan3A_298, %scan3A_299 : i32
    %scan3A_301 = arith.constant 1 : i32
    scf.for %scan3A_313 = %scan3A_298 to %scan3A_300 step %scan3A_301  : i32 {
      %eq3A_314 = arith.constant 0 : i32
      %eq3A_315 = arith.cmpi eq, %scan3A_313, %eq3A_314 : i32
      %convert_element_type3A_316 = arith.extui %eq3A_315 : i1 to i32
      %cond3A_317 = arith.constant 0 : i32
      %cond3A_318 = arith.cmpi ne, %convert_element_type3A_316, %cond3A_317 : i32
      scf.if %cond3A_318 {
        %dma_wait3A_459 = arith.constant 0 : i32
        %dma_wait3A_460 = arith.constant 0 : i32
        %dma_wait3A_461 = tpu.memref_slice %arg15[%dma_wait3A_459, %dma_wait3A_460] : memref<64x1024xf32, #tpu.memory_space<vmem>> -> memref<16x1024xf32, #tpu.memory_space<vmem>>
        %dma_wait3A_462 = arith.constant 0 : i32
        %dma_wait3A_463 = tpu.memref_slice %arg14[%dma_wait3A_462] : memref<64xi32, #tpu.memory_space<vmem>> -> memref<16xi32, #tpu.memory_space<vmem>>
        %dma_wait3A_464 = arith.constant 0 : i32
        %dma_wait3A_465 = arith.constant 0 : i32
        %dma_wait3A_466 = tpu.memref_slice %arg2[%select_n3A, %dma_wait3A_464, %dma_wait3A_465] : memref<4x4096x1024xf32, #tpu.memory_space<hbm>> -> memref<1x4096x1024xf32, #tpu.memory_space<hbm>>
        %dma_wait3A_467 = tpu.memref_squeeze %dma_wait3A_466 : memref<1x4096x1024xf32, #tpu.memory_space<hbm>> -> memref<4096x1024xf32, #tpu.memory_space<hbm>>
        %dma_wait3A_468 = arith.constant 0 : i32
        %dma_wait3A_469 = arith.constant 0 : i32
        %dma_wait3A_470 = tpu.memref_slice %dma_wait3A_467[%dma_wait3A_468, %dma_wait3A_469] : memref<4096x1024xf32, #tpu.memory_space<hbm>> -> memref<4096x1024xf32, #tpu.memory_space<hbm>>
        %dma_wait3A_471 = tpu.memref_slice %arg21[%scan3A_290] : memref<8x!tpu.dma_semaphore, #tpu.memory_space<semaphore_mem>> -> memref<1x!tpu.dma_semaphore, #tpu.memory_space<semaphore_mem>>
        %dma_wait3A_472 = tpu.memref_squeeze %dma_wait3A_471 : memref<1x!tpu.dma_semaphore, #tpu.memory_space<semaphore_mem>> -> memref<!tpu.dma_semaphore, #tpu.memory_space<semaphore_mem>>
        tpu.wait_indirect_dma semaphore(%dma_wait3A_472 : memref<!tpu.dma_semaphore, #tpu.memory_space<semaphore_mem>>) src(%dma_wait3A_470 : memref<4096x1024xf32, #tpu.memory_space<hbm>>) dst(%dma_wait3A_461 : memref<16x1024xf32, #tpu.memory_space<vmem>>)
        %dma_wait3A_473 = arith.constant 0 : i32
        %dma_wait3A_474 = arith.constant 0 : i32
        %dma_wait3A_475 = tpu.memref_slice %arg16[%dma_wait3A_473, %dma_wait3A_474] : memref<64x256xf32, #tpu.memory_space<vmem>> -> memref<16x256xf32, #tpu.memory_space<vmem>>
        %dma_wait3A_476 = arith.constant 0 : i32
        %dma_wait3A_477 = tpu.memref_slice %arg14[%dma_wait3A_476] : memref<64xi32, #tpu.memory_space<vmem>> -> memref<16xi32, #tpu.memory_space<vmem>>
        %dma_wait3A_478 = arith.constant 0 : i32
        %dma_wait3A_479 = arith.constant 0 : i32
        %dma_wait3A_480 = tpu.memref_slice %arg3[%select_n3A, %dma_wait3A_478, %dma_wait3A_479] : memref<4x4096x256xf32, #tpu.memory_space<hbm>> -> memref<1x4096x256xf32, #tpu.memory_space<hbm>>
        %dma_wait3A_481 = tpu.memref_squeeze %dma_wait3A_480 : memref<1x4096x256xf32, #tpu.memory_space<hbm>> -> memref<4096x256xf32, #tpu.memory_space<hbm>>
        %dma_wait3A_482 = arith.constant 0 : i32
        %dma_wait3A_483 = arith.constant 0 : i32
        %dma_wait3A_484 = tpu.memref_slice %dma_wait3A_481[%dma_wait3A_482, %dma_wait3A_483] : memref<4096x256xf32, #tpu.memory_space<hbm>> -> memref<4096x256xf32, #tpu.memory_space<hbm>>
        %dma_wait3A_485 = tpu.memref_slice %arg21[%scan3A_291] : memref<8x!tpu.dma_semaphore, #tpu.memory_space<semaphore_mem>> -> memref<1x!tpu.dma_semaphore, #tpu.memory_space<semaphore_mem>>
        %dma_wait3A_486 = tpu.memref_squeeze %dma_wait3A_485 : memref<1x!tpu.dma_semaphore, #tpu.memory_space<semaphore_mem>> -> memref<!tpu.dma_semaphore, #tpu.memory_space<semaphore_mem>>
        tpu.wait_indirect_dma semaphore(%dma_wait3A_486 : memref<!tpu.dma_semaphore, #tpu.memory_space<semaphore_mem>>) src(%dma_wait3A_484 : memref<4096x256xf32, #tpu.memory_space<hbm>>) dst(%dma_wait3A_475 : memref<16x256xf32, #tpu.memory_space<vmem>>)
      } else {
      }
      %eq3A_319 = arith.constant 1 : i32
      %eq3A_320 = arith.cmpi eq, %scan3A_313, %eq3A_319 : i32
      %convert_element_type3A_321 = arith.extui %eq3A_320 : i1 to i32
      %cond3A_322 = arith.constant 0 : i32
      %cond3A_323 = arith.cmpi ne, %convert_element_type3A_321, %cond3A_322 : i32
      scf.if %cond3A_323 {
        %dma_wait3A_459 = arith.constant 16 : i32
        %dma_wait3A_460 = arith.constant 0 : i32
        %dma_wait3A_461 = tpu.memref_slice %arg15[%dma_wait3A_459, %dma_wait3A_460] : memref<64x1024xf32, #tpu.memory_space<vmem>> -> memref<16x1024xf32, #tpu.memory_space<vmem>>
        %dma_wait3A_462 = arith.constant 16 : i32
        %dma_wait3A_463 = tpu.memref_slice %arg14[%dma_wait3A_462] : memref<64xi32, #tpu.memory_space<vmem>> -> memref<16xi32, #tpu.memory_space<vmem>>
        %dma_wait3A_464 = arith.constant 0 : i32
        %dma_wait3A_465 = arith.constant 0 : i32
        %dma_wait3A_466 = tpu.memref_slice %arg2[%select_n3A, %dma_wait3A_464, %dma_wait3A_465] : memref<4x4096x1024xf32, #tpu.memory_space<hbm>> -> memref<1x4096x1024xf32, #tpu.memory_space<hbm>>
        %dma_wait3A_467 = tpu.memref_squeeze %dma_wait3A_466 : memref<1x4096x1024xf32, #tpu.memory_space<hbm>> -> memref<4096x1024xf32, #tpu.memory_space<hbm>>
        %dma_wait3A_468 = arith.constant 0 : i32
        %dma_wait3A_469 = arith.constant 0 : i32
        %dma_wait3A_470 = tpu.memref_slice %dma_wait3A_467[%dma_wait3A_468, %dma_wait3A_469] : memref<4096x1024xf32, #tpu.memory_space<hbm>> -> memref<4096x1024xf32, #tpu.memory_space<hbm>>
        %dma_wait3A_471 = tpu.memref_slice %arg21[%scan3A_292] : memref<8x!tpu.dma_semaphore, #tpu.memory_space<semaphore_mem>> -> memref<1x!tpu.dma_semaphore, #tpu.memory_space<semaphore_mem>>
        %dma_wait3A_472 = tpu.memref_squeeze %dma_wait3A_471 : memref<1x!tpu.dma_semaphore, #tpu.memory_space<semaphore_mem>> -> memref<!tpu.dma_semaphore, #tpu.memory_space<semaphore_mem>>
        tpu.wait_indirect_dma semaphore(%dma_wait3A_472 : memref<!tpu.dma_semaphore, #tpu.memory_space<semaphore_mem>>) src(%dma_wait3A_470 : memref<4096x1024xf32, #tpu.memory_space<hbm>>) dst(%dma_wait3A_461 : memref<16x1024xf32, #tpu.memory_space<vmem>>)
        %dma_wait3A_473 = arith.constant 16 : i32
        %dma_wait3A_474 = arith.constant 0 : i32
        %dma_wait3A_475 = tpu.memref_slice %arg16[%dma_wait3A_473, %dma_wait3A_474] : memref<64x256xf32, #tpu.memory_space<vmem>> -> memref<16x256xf32, #tpu.memory_space<vmem>>
        %dma_wait3A_476 = arith.constant 16 : i32
        %dma_wait3A_477 = tpu.memref_slice %arg14[%dma_wait3A_476] : memref<64xi32, #tpu.memory_space<vmem>> -> memref<16xi32, #tpu.memory_space<vmem>>
        %dma_wait3A_478 = arith.constant 0 : i32
        %dma_wait3A_479 = arith.constant 0 : i32
        %dma_wait3A_480 = tpu.memref_slice %arg3[%select_n3A, %dma_wait3A_478, %dma_wait3A_479] : memref<4x4096x256xf32, #tpu.memory_space<hbm>> -> memref<1x4096x256xf32, #tpu.memory_space<hbm>>
        %dma_wait3A_481 = tpu.memref_squeeze %dma_wait3A_480 : memref<1x4096x256xf32, #tpu.memory_space<hbm>> -> memref<4096x256xf32, #tpu.memory_space<hbm>>
        %dma_wait3A_482 = arith.constant 0 : i32
        %dma_wait3A_483 = arith.constant 0 : i32
        %dma_wait3A_484 = tpu.memref_slice %dma_wait3A_481[%dma_wait3A_482, %dma_wait3A_483] : memref<4096x256xf32, #tpu.memory_space<hbm>> -> memref<4096x256xf32, #tpu.memory_space<hbm>>
        %dma_wait3A_485 = tpu.memref_slice %arg21[%scan3A_293] : memref<8x!tpu.dma_semaphore, #tpu.memory_space<semaphore_mem>> -> memref<1x!tpu.dma_semaphore, #tpu.memory_space<semaphore_mem>>
        %dma_wait3A_486 = tpu.memref_squeeze %dma_wait3A_485 : memref<1x!tpu.dma_semaphore, #tpu.memory_space<semaphore_mem>> -> memref<!tpu.dma_semaphore, #tpu.memory_space<semaphore_mem>>
        tpu.wait_indirect_dma semaphore(%dma_wait3A_486 : memref<!tpu.dma_semaphore, #tpu.memory_space<semaphore_mem>>) src(%dma_wait3A_484 : memref<4096x256xf32, #tpu.memory_space<hbm>>) dst(%dma_wait3A_475 : memref<16x256xf32, #tpu.memory_space<vmem>>)
      } else {
      }
      %eq3A_324 = arith.constant 2 : i32
      %eq3A_325 = arith.cmpi eq, %scan3A_313, %eq3A_324 : i32
      %convert_element_type3A_326 = arith.extui %eq3A_325 : i1 to i32
      %cond3A_327 = arith.constant 0 : i32
      %cond3A_328 = arith.cmpi ne, %convert_element_type3A_326, %cond3A_327 : i32
      scf.if %cond3A_328 {
        %dma_wait3A_459 = arith.constant 32 : i32
        %dma_wait3A_460 = arith.constant 0 : i32
        %dma_wait3A_461 = tpu.memref_slice %arg15[%dma_wait3A_459, %dma_wait3A_460] : memref<64x1024xf32, #tpu.memory_space<vmem>> -> memref<16x1024xf32, #tpu.memory_space<vmem>>
        %dma_wait3A_462 = arith.constant 32 : i32
        %dma_wait3A_463 = tpu.memref_slice %arg14[%dma_wait3A_462] : memref<64xi32, #tpu.memory_space<vmem>> -> memref<16xi32, #tpu.memory_space<vmem>>
        %dma_wait3A_464 = arith.constant 0 : i32
        %dma_wait3A_465 = arith.constant 0 : i32
        %dma_wait3A_466 = tpu.memref_slice %arg2[%select_n3A, %dma_wait3A_464, %dma_wait3A_465] : memref<4x4096x1024xf32, #tpu.memory_space<hbm>> -> memref<1x4096x1024xf32, #tpu.memory_space<hbm>>
        %dma_wait3A_467 = tpu.memref_squeeze %dma_wait3A_466 : memref<1x4096x1024xf32, #tpu.memory_space<hbm>> -> memref<4096x1024xf32, #tpu.memory_space<hbm>>
        %dma_wait3A_468 = arith.constant 0 : i32
        %dma_wait3A_469 = arith.constant 0 : i32
        %dma_wait3A_470 = tpu.memref_slice %dma_wait3A_467[%dma_wait3A_468, %dma_wait3A_469] : memref<4096x1024xf32, #tpu.memory_space<hbm>> -> memref<4096x1024xf32, #tpu.memory_space<hbm>>
        %dma_wait3A_471 = tpu.memref_slice %arg21[%scan3A_294] : memref<8x!tpu.dma_semaphore, #tpu.memory_space<semaphore_mem>> -> memref<1x!tpu.dma_semaphore, #tpu.memory_space<semaphore_mem>>
        %dma_wait3A_472 = tpu.memref_squeeze %dma_wait3A_471 : memref<1x!tpu.dma_semaphore, #tpu.memory_space<semaphore_mem>> -> memref<!tpu.dma_semaphore, #tpu.memory_space<semaphore_mem>>
        tpu.wait_indirect_dma semaphore(%dma_wait3A_472 : memref<!tpu.dma_semaphore, #tpu.memory_space<semaphore_mem>>) src(%dma_wait3A_470 : memref<4096x1024xf32, #tpu.memory_space<hbm>>) dst(%dma_wait3A_461 : memref<16x1024xf32, #tpu.memory_space<vmem>>)
        %dma_wait3A_473 = arith.constant 32 : i32
        %dma_wait3A_474 = arith.constant 0 : i32
        %dma_wait3A_475 = tpu.memref_slice %arg16[%dma_wait3A_473, %dma_wait3A_474] : memref<64x256xf32, #tpu.memory_space<vmem>> -> memref<16x256xf32, #tpu.memory_space<vmem>>
        %dma_wait3A_476 = arith.constant 32 : i32
        %dma_wait3A_477 = tpu.memref_slice %arg14[%dma_wait3A_476] : memref<64xi32, #tpu.memory_space<vmem>> -> memref<16xi32, #tpu.memory_space<vmem>>
        %dma_wait3A_478 = arith.constant 0 : i32
        %dma_wait3A_479 = arith.constant 0 : i32
        %dma_wait3A_480 = tpu.memref_slice %arg3[%select_n3A, %dma_wait3A_478, %dma_wait3A_479] : memref<4x4096x256xf32, #tpu.memory_space<hbm>> -> memref<1x4096x256xf32, #tpu.memory_space<hbm>>
        %dma_wait3A_481 = tpu.memref_squeeze %dma_wait3A_480 : memref<1x4096x256xf32, #tpu.memory_space<hbm>> -> memref<4096x256xf32, #tpu.memory_space<hbm>>
        %dma_wait3A_482 = arith.constant 0 : i32
        %dma_wait3A_483 = arith.constant 0 : i32
        %dma_wait3A_484 = tpu.memref_slice %dma_wait3A_481[%dma_wait3A_482, %dma_wait3A_483] : memref<4096x256xf32, #tpu.memory_space<hbm>> -> memref<4096x256xf32, #tpu.memory_space<hbm>>
        %dma_wait3A_485 = tpu.memref_slice %arg21[%scan3A_295] : memref<8x!tpu.dma_semaphore, #tpu.memory_space<semaphore_mem>> -> memref<1x!tpu.dma_semaphore, #tpu.memory_space<semaphore_mem>>
        %dma_wait3A_486 = tpu.memref_squeeze %dma_wait3A_485 : memref<1x!tpu.dma_semaphore, #tpu.memory_space<semaphore_mem>> -> memref<!tpu.dma_semaphore, #tpu.memory_space<semaphore_mem>>
        tpu.wait_indirect_dma semaphore(%dma_wait3A_486 : memref<!tpu.dma_semaphore, #tpu.memory_space<semaphore_mem>>) src(%dma_wait3A_484 : memref<4096x256xf32, #tpu.memory_space<hbm>>) dst(%dma_wait3A_475 : memref<16x256xf32, #tpu.memory_space<vmem>>)
      } else {
      }
      %eq3A_329 = arith.constant 3 : i32
      %eq3A_330 = arith.cmpi eq, %scan3A_313, %eq3A_329 : i32
      %convert_element_type3A_331 = arith.extui %eq3A_330 : i1 to i32
      %cond3A_332 = arith.constant 0 : i32
      %cond3A_333 = arith.cmpi ne, %convert_element_type3A_331, %cond3A_332 : i32
      scf.if %cond3A_333 {
        %dma_wait3A_459 = arith.constant 48 : i32
        %dma_wait3A_460 = arith.constant 0 : i32
        %dma_wait3A_461 = tpu.memref_slice %arg15[%dma_wait3A_459, %dma_wait3A_460] : memref<64x1024xf32, #tpu.memory_space<vmem>> -> memref<16x1024xf32, #tpu.memory_space<vmem>>
        %dma_wait3A_462 = arith.constant 48 : i32
        %dma_wait3A_463 = tpu.memref_slice %arg14[%dma_wait3A_462] : memref<64xi32, #tpu.memory_space<vmem>> -> memref<16xi32, #tpu.memory_space<vmem>>
        %dma_wait3A_464 = arith.constant 0 : i32
        %dma_wait3A_465 = arith.constant 0 : i32
        %dma_wait3A_466 = tpu.memref_slice %arg2[%select_n3A, %dma_wait3A_464, %dma_wait3A_465] : memref<4x4096x1024xf32, #tpu.memory_space<hbm>> -> memref<1x4096x1024xf32, #tpu.memory_space<hbm>>
        %dma_wait3A_467 = tpu.memref_squeeze %dma_wait3A_466 : memref<1x4096x1024xf32, #tpu.memory_space<hbm>> -> memref<4096x1024xf32, #tpu.memory_space<hbm>>
        %dma_wait3A_468 = arith.constant 0 : i32
        %dma_wait3A_469 = arith.constant 0 : i32
        %dma_wait3A_470 = tpu.memref_slice %dma_wait3A_467[%dma_wait3A_468, %dma_wait3A_469] : memref<4096x1024xf32, #tpu.memory_space<hbm>> -> memref<4096x1024xf32, #tpu.memory_space<hbm>>
        %dma_wait3A_471 = tpu.memref_slice %arg21[%scan3A_296] : memref<8x!tpu.dma_semaphore, #tpu.memory_space<semaphore_mem>> -> memref<1x!tpu.dma_semaphore, #tpu.memory_space<semaphore_mem>>
        %dma_wait3A_472 = tpu.memref_squeeze %dma_wait3A_471 : memref<1x!tpu.dma_semaphore, #tpu.memory_space<semaphore_mem>> -> memref<!tpu.dma_semaphore, #tpu.memory_space<semaphore_mem>>
        tpu.wait_indirect_dma semaphore(%dma_wait3A_472 : memref<!tpu.dma_semaphore, #tpu.memory_space<semaphore_mem>>) src(%dma_wait3A_470 : memref<4096x1024xf32, #tpu.memory_space<hbm>>) dst(%dma_wait3A_461 : memref<16x1024xf32, #tpu.memory_space<vmem>>)
        %dma_wait3A_473 = arith.constant 48 : i32
        %dma_wait3A_474 = arith.constant 0 : i32
        %dma_wait3A_475 = tpu.memref_slice %arg16[%dma_wait3A_473, %dma_wait3A_474] : memref<64x256xf32, #tpu.memory_space<vmem>> -> memref<16x256xf32, #tpu.memory_space<vmem>>
        %dma_wait3A_476 = arith.constant 48 : i32
        %dma_wait3A_477 = tpu.memref_slice %arg14[%dma_wait3A_476] : memref<64xi32, #tpu.memory_space<vmem>> -> memref<16xi32, #tpu.memory_space<vmem>>
        %dma_wait3A_478 = arith.constant 0 : i32
        %dma_wait3A_479 = arith.constant 0 : i32
        %dma_wait3A_480 = tpu.memref_slice %arg3[%select_n3A, %dma_wait3A_478, %dma_wait3A_479] : memref<4x4096x256xf32, #tpu.memory_space<hbm>> -> memref<1x4096x256xf32, #tpu.memory_space<hbm>>
        %dma_wait3A_481 = tpu.memref_squeeze %dma_wait3A_480 : memref<1x4096x256xf32, #tpu.memory_space<hbm>> -> memref<4096x256xf32, #tpu.memory_space<hbm>>
        %dma_wait3A_482 = arith.constant 0 : i32
        %dma_wait3A_483 = arith.constant 0 : i32
        %dma_wait3A_484 = tpu.memref_slice %dma_wait3A_481[%dma_wait3A_482, %dma_wait3A_483] : memref<4096x256xf32, #tpu.memory_space<hbm>> -> memref<4096x256xf32, #tpu.memory_space<hbm>>
        %dma_wait3A_485 = tpu.memref_slice %arg21[%scan3A_297] : memref<8x!tpu.dma_semaphore, #tpu.memory_space<semaphore_mem>> -> memref<1x!tpu.dma_semaphore, #tpu.memory_space<semaphore_mem>>
        %dma_wait3A_486 = tpu.memref_squeeze %dma_wait3A_485 : memref<1x!tpu.dma_semaphore, #tpu.memory_space<semaphore_mem>> -> memref<!tpu.dma_semaphore, #tpu.memory_space<semaphore_mem>>
        tpu.wait_indirect_dma semaphore(%dma_wait3A_486 : memref<!tpu.dma_semaphore, #tpu.memory_space<semaphore_mem>>) src(%dma_wait3A_484 : memref<4096x256xf32, #tpu.memory_space<hbm>>) dst(%dma_wait3A_475 : memref<16x256xf32, #tpu.memory_space<vmem>>)
      } else {
      }
      %mul3A_334 = arith.constant 16 : i32
      %mul3A_335 = arith.muli %scan3A_313, %mul3A_334 : i32
      %broadcast_in_dim3A_336 = vector.broadcast %add3A_280 : f32 to vector<16xf32>
      %select_n3A_337 = arith.select %eq3A_273, %broadcast_in_dim3A_336, %broadcast_in_dim3A_274 : vector<16xi1>, vector<16xf32>
      %broadcast_in_dim3A_338 = vector.broadcast %add3A_280 : f32 to vector<16xf32>
      %select_n3A_339 = arith.select %eq3A_273, %broadcast_in_dim3A_338, %broadcast_in_dim3A_274 : vector<16xi1>, vector<16xf32>
      %broadcast_in_dim3A_340 = vector.broadcast %add3A_280 : f32 to vector<16xf32>
      %select_n3A_341 = arith.select %eq3A_273, %broadcast_in_dim3A_340, %broadcast_in_dim3A_274 : vector<16xi1>, vector<16xf32>
      %broadcast_in_dim3A_342 = vector.broadcast %add3A_280 : f32 to vector<16xf32>
      %select_n3A_343 = arith.select %eq3A_273, %broadcast_in_dim3A_342, %broadcast_in_dim3A_274 : vector<16xi1>, vector<16xf32>
      %broadcast_in_dim3A_344 = vector.broadcast %add3A_280 : f32 to vector<16xf32>
      %select_n3A_345 = arith.select %eq3A_273, %broadcast_in_dim3A_344, %broadcast_in_dim3A_274 : vector<16xi1>, vector<16xf32>
      %broadcast_in_dim3A_346 = vector.broadcast %add3A_280 : f32 to vector<16xf32>
      %select_n3A_347 = arith.select %eq3A_273, %broadcast_in_dim3A_346, %broadcast_in_dim3A_274 : vector<16xi1>, vector<16xf32>
      %broadcast_in_dim3A_348 = vector.broadcast %add3A_280 : f32 to vector<16xf32>
      %select_n3A_349 = arith.select %eq3A_273, %broadcast_in_dim3A_348, %broadcast_in_dim3A_274 : vector<16xi1>, vector<16xf32>
      %broadcast_in_dim3A_350 = vector.broadcast %add3A_280 : f32 to vector<16xf32>
      %select_n3A_351 = arith.select %eq3A_273, %broadcast_in_dim3A_350, %broadcast_in_dim3A_274 : vector<16xi1>, vector<16xf32>
      %broadcast_in_dim3A_352 = vector.broadcast %add3A_280 : f32 to vector<16xf32>
      %select_n3A_353 = arith.select %eq3A_273, %broadcast_in_dim3A_352, %broadcast_in_dim3A_274 : vector<16xi1>, vector<16xf32>
      %broadcast_in_dim3A_354 = vector.broadcast %add3A_280 : f32 to vector<16xf32>
      %select_n3A_355 = arith.select %eq3A_273, %broadcast_in_dim3A_354, %broadcast_in_dim3A_274 : vector<16xi1>, vector<16xf32>
      %broadcast_in_dim3A_356 = vector.broadcast %add3A_280 : f32 to vector<16xf32>
      %select_n3A_357 = arith.select %eq3A_273, %broadcast_in_dim3A_356, %broadcast_in_dim3A_274 : vector<16xi1>, vector<16xf32>
      %broadcast_in_dim3A_358 = vector.broadcast %add3A_280 : f32 to vector<16xf32>
      %select_n3A_359 = arith.select %eq3A_273, %broadcast_in_dim3A_358, %broadcast_in_dim3A_274 : vector<16xi1>, vector<16xf32>
      %broadcast_in_dim3A_360 = vector.broadcast %add3A_280 : f32 to vector<16xf32>
      %select_n3A_361 = arith.select %eq3A_273, %broadcast_in_dim3A_360, %broadcast_in_dim3A_274 : vector<16xi1>, vector<16xf32>
      %broadcast_in_dim3A_362 = vector.broadcast %add3A_280 : f32 to vector<16xf32>
      %select_n3A_363 = arith.select %eq3A_273, %broadcast_in_dim3A_362, %broadcast_in_dim3A_274 : vector<16xi1>, vector<16xf32>
      %broadcast_in_dim3A_364 = vector.broadcast %add3A_280 : f32 to vector<16xf32>
      %select_n3A_365 = arith.select %eq3A_273, %broadcast_in_dim3A_364, %broadcast_in_dim3A_274 : vector<16xi1>, vector<16xf32>
      %broadcast_in_dim3A_366 = vector.broadcast %add3A_280 : f32 to vector<16xf32>
      %select_n3A_367 = arith.select %eq3A_273, %broadcast_in_dim3A_366, %broadcast_in_dim3A_274 : vector<16xi1>, vector<16xf32>
      %scan3A_368 = arith.constant 0 : i32
      %scan3A_369 = arith.constant 64 : i32
      %scan3A_370 = arith.addi %scan3A_368, %scan3A_369 : i32
      %scan3A_371 = arith.constant 2 : i32
      %scan3A_372:16 = scf.for %scan3A_459 = %scan3A_368 to %scan3A_370 step %scan3A_371 iter_args(%scan3A_460 = %select_n3A_337, %scan3A_461 = %select_n3A_339, %scan3A_462 = %select_n3A_341, %scan3A_463 = %select_n3A_343, %scan3A_464 = %select_n3A_345, %scan3A_465 = %select_n3A_347, %scan3A_466 = %select_n3A_349, %scan3A_467 = %select_n3A_351, %scan3A_468 = %select_n3A_353, %scan3A_469 = %select_n3A_355, %scan3A_470 = %select_n3A_357, %scan3A_471 = %select_n3A_359, %scan3A_472 = %select_n3A_361, %scan3A_473 = %select_n3A_363, %scan3A_474 = %select_n3A_365, %scan3A_475 = %select_n3A_367) -> (vector<16xf32>, vector<16xf32>, vector<16xf32>, vector<16xf32>, vector<16xf32>, vector<16xf32>, vector<16xf32>, vector<16xf32>, vector<16xf32>, vector<16xf32>, vector<16xf32>, vector<16xf32>, vector<16xf32>, vector<16xf32>, vector<16xf32>, vector<16xf32>)  : i32 {
        %mul3A_476 = arith.constant 16 : i32
        %mul3A_477 = arith.muli %scan3A_459, %mul3A_476 : i32
        %get3A_478 = arith.index_cast %mul3A_477 : i32 to index
        %get3A_479 = tpu.vector_load %arg17[%get3A_478] {strides = array<i32>} : memref<2560xf32, #tpu.memory_space<vmem>>, vector<16xf32>,
        %add3A_480 = arith.constant 0 : i32
        %add3A_481 = arith.addi %mul3A_335, %add3A_480 : i32
        %mul3A_482 = arith.constant 16 : i32
        %mul3A_483 = arith.muli %scan3A_459, %mul3A_482 : i32
        %get3A_484 = arith.index_cast %add3A_481 : i32 to index
        %get3A_485 = arith.index_cast %mul3A_483 : i32 to index
        %get3A_486 = tpu.vector_load %arg15[%get3A_484, %get3A_485] {strides = array<i32>} : memref<64x1024xf32, #tpu.memory_space<vmem>>, vector<16xf32>,
        %mul3A_487 = arith.mulf %get3A_486, %get3A_479 : vector<16xf32>
        %add3A_488 = arith.addf %scan3A_460, %mul3A_487 : vector<16xf32>
        %add3A_489 = arith.constant 1 : i32
        %add3A_490 = arith.addi %mul3A_335, %add3A_489 : i32
        %mul3A_491 = arith.constant 16 : i32
        %mul3A_492 = arith.muli %scan3A_459, %mul3A_491 : i32
        %get3A_493 = arith.index_cast %add3A_490 : i32 to index
        %get3A_494 = arith.index_cast %mul3A_492 : i32 to index
        %get3A_495 = tpu.vector_load %arg15[%get3A_493, %get3A_494] {strides = array<i32>} : memref<64x1024xf32, #tpu.memory_space<vmem>>, vector<16xf32>,
        %mul3A_496 = arith.mulf %get3A_495, %get3A_479 : vector<16xf32>
        %add3A_497 = arith.addf %scan3A_461, %mul3A_496 : vector<16xf32>
        %add3A_498 = arith.constant 2 : i32
        %add3A_499 = arith.addi %mul3A_335, %add3A_498 : i32
        %mul3A_500 = arith.constant 16 : i32
        %mul3A_501 = arith.muli %scan3A_459, %mul3A_500 : i32
        %get3A_502 = arith.index_cast %add3A_499 : i32 to index
        %get3A_503 = arith.index_cast %mul3A_501 : i32 to index
        %get3A_504 = tpu.vector_load %arg15[%get3A_502, %get3A_503] {strides = array<i32>} : memref<64x1024xf32, #tpu.memory_space<vmem>>, vector<16xf32>,
        %mul3A_505 = arith.mulf %get3A_504, %get3A_479 : vector<16xf32>
        %add3A_506 = arith.addf %scan3A_462, %mul3A_505 : vector<16xf32>
        %add3A_507 = arith.constant 3 : i32
        %add3A_508 = arith.addi %mul3A_335, %add3A_507 : i32
        %mul3A_509 = arith.constant 16 : i32
        %mul3A_510 = arith.muli %scan3A_459, %mul3A_509 : i32
        %get3A_511 = arith.index_cast %add3A_508 : i32 to index
        %get3A_512 = arith.index_cast %mul3A_510 : i32 to index
        %get3A_513 = tpu.vector_load %arg15[%get3A_511, %get3A_512] {strides = array<i32>} : memref<64x1024xf32, #tpu.memory_space<vmem>>, vector<16xf32>,
        %mul3A_514 = arith.mulf %get3A_513, %get3A_479 : vector<16xf32>
        %add3A_515 = arith.addf %scan3A_463, %mul3A_514 : vector<16xf32>
        %add3A_516 = arith.constant 4 : i32
        %add3A_517 = arith.addi %mul3A_335, %add3A_516 : i32
        %mul3A_518 = arith.constant 16 : i32
        %mul3A_519 = arith.muli %scan3A_459, %mul3A_518 : i32
        %get3A_520 = arith.index_cast %add3A_517 : i32 to index
        %get3A_521 = arith.index_cast %mul3A_519 : i32 to index
        %get3A_522 = tpu.vector_load %arg15[%get3A_520, %get3A_521] {strides = array<i32>} : memref<64x1024xf32, #tpu.memory_space<vmem>>, vector<16xf32>,
        %mul3A_523 = arith.mulf %get3A_522, %get3A_479 : vector<16xf32>
        %add3A_524 = arith.addf %scan3A_464, %mul3A_523 : vector<16xf32>
        %add3A_525 = arith.constant 5 : i32
        %add3A_526 = arith.addi %mul3A_335, %add3A_525 : i32
        %mul3A_527 = arith.constant 16 : i32
        %mul3A_528 = arith.muli %scan3A_459, %mul3A_527 : i32
        %get3A_529 = arith.index_cast %add3A_526 : i32 to index
        %get3A_530 = arith.index_cast %mul3A_528 : i32 to index
        %get3A_531 = tpu.vector_load %arg15[%get3A_529, %get3A_530] {strides = array<i32>} : memref<64x1024xf32, #tpu.memory_space<vmem>>, vector<16xf32>,
        %mul3A_532 = arith.mulf %get3A_531, %get3A_479 : vector<16xf32>
        %add3A_533 = arith.addf %scan3A_465, %mul3A_532 : vector<16xf32>
        %add3A_534 = arith.constant 6 : i32
        %add3A_535 = arith.addi %mul3A_335, %add3A_534 : i32
        %mul3A_536 = arith.constant 16 : i32
        %mul3A_537 = arith.muli %scan3A_459, %mul3A_536 : i32
        %get3A_538 = arith.index_cast %add3A_535 : i32 to index
        %get3A_539 = arith.index_cast %mul3A_537 : i32 to index
        %get3A_540 = tpu.vector_load %arg15[%get3A_538, %get3A_539] {strides = array<i32>} : memref<64x1024xf32, #tpu.memory_space<vmem>>, vector<16xf32>,
        %mul3A_541 = arith.mulf %get3A_540, %get3A_479 : vector<16xf32>
        %add3A_542 = arith.addf %scan3A_466, %mul3A_541 : vector<16xf32>
        %add3A_543 = arith.constant 7 : i32
        %add3A_544 = arith.addi %mul3A_335, %add3A_543 : i32
        %mul3A_545 = arith.constant 16 : i32
        %mul3A_546 = arith.muli %scan3A_459, %mul3A_545 : i32
        %get3A_547 = arith.index_cast %add3A_544 : i32 to index
        %get3A_548 = arith.index_cast %mul3A_546 : i32 to index
        %get3A_549 = tpu.vector_load %arg15[%get3A_547, %get3A_548] {strides = array<i32>} : memref<64x1024xf32, #tpu.memory_space<vmem>>, vector<16xf32>,
        %mul3A_550 = arith.mulf %get3A_549, %get3A_479 : vector<16xf32>
        %add3A_551 = arith.addf %scan3A_467, %mul3A_550 : vector<16xf32>
        %add3A_552 = arith.constant 8 : i32
        %add3A_553 = arith.addi %mul3A_335, %add3A_552 : i32
        %mul3A_554 = arith.constant 16 : i32
        %mul3A_555 = arith.muli %scan3A_459, %mul3A_554 : i32
        %get3A_556 = arith.index_cast %add3A_553 : i32 to index
        %get3A_557 = arith.index_cast %mul3A_555 : i32 to index
        %get3A_558 = tpu.vector_load %arg15[%get3A_556, %get3A_557] {strides = array<i32>} : memref<64x1024xf32, #tpu.memory_space<vmem>>, vector<16xf32>,
        %mul3A_559 = arith.mulf %get3A_558, %get3A_479 : vector<16xf32>
        %add3A_560 = arith.addf %scan3A_468, %mul3A_559 : vector<16xf32>
        %add3A_561 = arith.constant 9 : i32
        %add3A_562 = arith.addi %mul3A_335, %add3A_561 : i32
        %mul3A_563 = arith.constant 16 : i32
        %mul3A_564 = arith.muli %scan3A_459, %mul3A_563 : i32
        %get3A_565 = arith.index_cast %add3A_562 : i32 to index
        %get3A_566 = arith.index_cast %mul3A_564 : i32 to index
        %get3A_567 = tpu.vector_load %arg15[%get3A_565, %get3A_566] {strides = array<i32>} : memref<64x1024xf32, #tpu.memory_space<vmem>>, vector<16xf32>,
        %mul3A_568 = arith.mulf %get3A_567, %get3A_479 : vector<16xf32>
        %add3A_569 = arith.addf %scan3A_469, %mul3A_568 : vector<16xf32>
        %add3A_570 = arith.constant 10 : i32
        %add3A_571 = arith.addi %mul3A_335, %add3A_570 : i32
        %mul3A_572 = arith.constant 16 : i32
        %mul3A_573 = arith.muli %scan3A_459, %mul3A_572 : i32
        %get3A_574 = arith.index_cast %add3A_571 : i32 to index
        %get3A_575 = arith.index_cast %mul3A_573 : i32 to index
        %get3A_576 = tpu.vector_load %arg15[%get3A_574, %get3A_575] {strides = array<i32>} : memref<64x1024xf32, #tpu.memory_space<vmem>>, vector<16xf32>,
        %mul3A_577 = arith.mulf %get3A_576, %get3A_479 : vector<16xf32>
        %add3A_578 = arith.addf %scan3A_470, %mul3A_577 : vector<16xf32>
        %add3A_579 = arith.constant 11 : i32
        %add3A_580 = arith.addi %mul3A_335, %add3A_579 : i32
        %mul3A_581 = arith.constant 16 : i32
        %mul3A_582 = arith.muli %scan3A_459, %mul3A_581 : i32
        %get3A_583 = arith.index_cast %add3A_580 : i32 to index
        %get3A_584 = arith.index_cast %mul3A_582 : i32 to index
        %get3A_585 = tpu.vector_load %arg15[%get3A_583, %get3A_584] {strides = array<i32>} : memref<64x1024xf32, #tpu.memory_space<vmem>>, vector<16xf32>,
        %mul3A_586 = arith.mulf %get3A_585, %get3A_479 : vector<16xf32>
        %add3A_587 = arith.addf %scan3A_471, %mul3A_586 : vector<16xf32>
        %add3A_588 = arith.constant 12 : i32
        %add3A_589 = arith.addi %mul3A_335, %add3A_588 : i32
        %mul3A_590 = arith.constant 16 : i32
        %mul3A_591 = arith.muli %scan3A_459, %mul3A_590 : i32
        %get3A_592 = arith.index_cast %add3A_589 : i32 to index
        %get3A_593 = arith.index_cast %mul3A_591 : i32 to index
        %get3A_594 = tpu.vector_load %arg15[%get3A_592, %get3A_593] {strides = array<i32>} : memref<64x1024xf32, #tpu.memory_space<vmem>>, vector<16xf32>,
        %mul3A_595 = arith.mulf %get3A_594, %get3A_479 : vector<16xf32>
        %add3A_596 = arith.addf %scan3A_472, %mul3A_595 : vector<16xf32>
        %add3A_597 = arith.constant 13 : i32
        %add3A_598 = arith.addi %mul3A_335, %add3A_597 : i32
        %mul3A_599 = arith.constant 16 : i32
        %mul3A_600 = arith.muli %scan3A_459, %mul3A_599 : i32
        %get3A_601 = arith.index_cast %add3A_598 : i32 to index
        %get3A_602 = arith.index_cast %mul3A_600 : i32 to index
        %get3A_603 = tpu.vector_load %arg15[%get3A_601, %get3A_602] {strides = array<i32>} : memref<64x1024xf32, #tpu.memory_space<vmem>>, vector<16xf32>,
        %mul3A_604 = arith.mulf %get3A_603, %get3A_479 : vector<16xf32>
        %add3A_605 = arith.addf %scan3A_473, %mul3A_604 : vector<16xf32>
        %add3A_606 = arith.constant 14 : i32
        %add3A_607 = arith.addi %mul3A_335, %add3A_606 : i32
        %mul3A_608 = arith.constant 16 : i32
        %mul3A_609 = arith.muli %scan3A_459, %mul3A_608 : i32
        %get3A_610 = arith.index_cast %add3A_607 : i32 to index
        %get3A_611 = arith.index_cast %mul3A_609 : i32 to index
        %get3A_612 = tpu.vector_load %arg15[%get3A_610, %get3A_611] {strides = array<i32>} : memref<64x1024xf32, #tpu.memory_space<vmem>>, vector<16xf32>,
        %mul3A_613 = arith.mulf %get3A_612, %get3A_479 : vector<16xf32>
        %add3A_614 = arith.addf %scan3A_474, %mul3A_613 : vector<16xf32>
        %add3A_615 = arith.constant 15 : i32
        %add3A_616 = arith.addi %mul3A_335, %add3A_615 : i32
        %mul3A_617 = arith.constant 16 : i32
        %mul3A_618 = arith.muli %scan3A_459, %mul3A_617 : i32
        %get3A_619 = arith.index_cast %add3A_616 : i32 to index
        %get3A_620 = arith.index_cast %mul3A_618 : i32 to index
        %get3A_621 = tpu.vector_load %arg15[%get3A_619, %get3A_620] {strides = array<i32>} : memref<64x1024xf32, #tpu.memory_space<vmem>>, vector<16xf32>,
        %mul3A_622 = arith.mulf %get3A_621, %get3A_479 : vector<16xf32>
        %add3A_623 = arith.addf %scan3A_475, %mul3A_622 : vector<16xf32>
        %scan3A_624 = arith.constant 1 : i32
        %scan3A_625 = arith.addi %scan3A_459, %scan3A_624 : i32
        %mul3A_626 = arith.constant 16 : i32
        %mul3A_627 = arith.muli %scan3A_625, %mul3A_626 : i32
        %get3A_628 = arith.index_cast %mul3A_627 : i32 to index
        %get3A_629 = tpu.vector_load %arg17[%get3A_628] {strides = array<i32>} : memref<2560xf32, #tpu.memory_space<vmem>>, vector<16xf32>,
        %add3A_630 = arith.constant 0 : i32
        %add3A_631 = arith.addi %mul3A_335, %add3A_630 : i32
        %mul3A_632 = arith.constant 16 : i32
        %mul3A_633 = arith.muli %scan3A_625, %mul3A_632 : i32
        %get3A_634 = arith.index_cast %add3A_631 : i32 to index
        %get3A_635 = arith.index_cast %mul3A_633 : i32 to index
        %get3A_636 = tpu.vector_load %arg15[%get3A_634, %get3A_635] {strides = array<i32>} : memref<64x1024xf32, #tpu.memory_space<vmem>>, vector<16xf32>,
        %mul3A_637 = arith.mulf %get3A_636, %get3A_629 : vector<16xf32>
        %add3A_638 = arith.addf %add3A_488, %mul3A_637 : vector<16xf32>
        %add3A_639 = arith.constant 1 : i32
        %add3A_640 = arith.addi %mul3A_335, %add3A_639 : i32
        %mul3A_641 = arith.constant 16 : i32
        %mul3A_642 = arith.muli %scan3A_625, %mul3A_641 : i32
        %get3A_643 = arith.index_cast %add3A_640 : i32 to index
        %get3A_644 = arith.index_cast %mul3A_642 : i32 to index
        %get3A_645 = tpu.vector_load %arg15[%get3A_643, %get3A_644] {strides = array<i32>} : memref<64x1024xf32, #tpu.memory_space<vmem>>, vector<16xf32>,
        %mul3A_646 = arith.mulf %get3A_645, %get3A_629 : vector<16xf32>
        %add3A_647 = arith.addf %add3A_497, %mul3A_646 : vector<16xf32>
        %add3A_648 = arith.constant 2 : i32
        %add3A_649 = arith.addi %mul3A_335, %add3A_648 : i32
        %mul3A_650 = arith.constant 16 : i32
        %mul3A_651 = arith.muli %scan3A_625, %mul3A_650 : i32
        %get3A_652 = arith.index_cast %add3A_649 : i32 to index
        %get3A_653 = arith.index_cast %mul3A_651 : i32 to index
        %get3A_654 = tpu.vector_load %arg15[%get3A_652, %get3A_653] {strides = array<i32>} : memref<64x1024xf32, #tpu.memory_space<vmem>>, vector<16xf32>,
        %mul3A_655 = arith.mulf %get3A_654, %get3A_629 : vector<16xf32>
        %add3A_656 = arith.addf %add3A_506, %mul3A_655 : vector<16xf32>
        %add3A_657 = arith.constant 3 : i32
        %add3A_658 = arith.addi %mul3A_335, %add3A_657 : i32
        %mul3A_659 = arith.constant 16 : i32
        %mul3A_660 = arith.muli %scan3A_625, %mul3A_659 : i32
        %get3A_661 = arith.index_cast %add3A_658 : i32 to index
        %get3A_662 = arith.index_cast %mul3A_660 : i32 to index
        %get3A_663 = tpu.vector_load %arg15[%get3A_661, %get3A_662] {strides = array<i32>} : memref<64x1024xf32, #tpu.memory_space<vmem>>, vector<16xf32>,
        %mul3A_664 = arith.mulf %get3A_663, %get3A_629 : vector<16xf32>
        %add3A_665 = arith.addf %add3A_515, %mul3A_664 : vector<16xf32>
        %add3A_666 = arith.constant 4 : i32
        %add3A_667 = arith.addi %mul3A_335, %add3A_666 : i32
        %mul3A_668 = arith.constant 16 : i32
        %mul3A_669 = arith.muli %scan3A_625, %mul3A_668 : i32
        %get3A_670 = arith.index_cast %add3A_667 : i32 to index
        %get3A_671 = arith.index_cast %mul3A_669 : i32 to index
        %get3A_672 = tpu.vector_load %arg15[%get3A_670, %get3A_671] {strides = array<i32>} : memref<64x1024xf32, #tpu.memory_space<vmem>>, vector<16xf32>,
        %mul3A_673 = arith.mulf %get3A_672, %get3A_629 : vector<16xf32>
        %add3A_674 = arith.addf %add3A_524, %mul3A_673 : vector<16xf32>
        %add3A_675 = arith.constant 5 : i32
        %add3A_676 = arith.addi %mul3A_335, %add3A_675 : i32
        %mul3A_677 = arith.constant 16 : i32
        %mul3A_678 = arith.muli %scan3A_625, %mul3A_677 : i32
        %get3A_679 = arith.index_cast %add3A_676 : i32 to index
        %get3A_680 = arith.index_cast %mul3A_678 : i32 to index
        %get3A_681 = tpu.vector_load %arg15[%get3A_679, %get3A_680] {strides = array<i32>} : memref<64x1024xf32, #tpu.memory_space<vmem>>, vector<16xf32>,
        %mul3A_682 = arith.mulf %get3A_681, %get3A_629 : vector<16xf32>
        %add3A_683 = arith.addf %add3A_533, %mul3A_682 : vector<16xf32>
        %add3A_684 = arith.constant 6 : i32
        %add3A_685 = arith.addi %mul3A_335, %add3A_684 : i32
        %mul3A_686 = arith.constant 16 : i32
        %mul3A_687 = arith.muli %scan3A_625, %mul3A_686 : i32
        %get3A_688 = arith.index_cast %add3A_685 : i32 to index
        %get3A_689 = arith.index_cast %mul3A_687 : i32 to index
        %get3A_690 = tpu.vector_load %arg15[%get3A_688, %get3A_689] {strides = array<i32>} : memref<64x1024xf32, #tpu.memory_space<vmem>>, vector<16xf32>,
        %mul3A_691 = arith.mulf %get3A_690, %get3A_629 : vector<16xf32>
        %add3A_692 = arith.addf %add3A_542, %mul3A_691 : vector<16xf32>
        %add3A_693 = arith.constant 7 : i32
        %add3A_694 = arith.addi %mul3A_335, %add3A_693 : i32
        %mul3A_695 = arith.constant 16 : i32
        %mul3A_696 = arith.muli %scan3A_625, %mul3A_695 : i32
        %get3A_697 = arith.index_cast %add3A_694 : i32 to index
        %get3A_698 = arith.index_cast %mul3A_696 : i32 to index
        %get3A_699 = tpu.vector_load %arg15[%get3A_697, %get3A_698] {strides = array<i32>} : memref<64x1024xf32, #tpu.memory_space<vmem>>, vector<16xf32>,
        %mul3A_700 = arith.mulf %get3A_699, %get3A_629 : vector<16xf32>
        %add3A_701 = arith.addf %add3A_551, %mul3A_700 : vector<16xf32>
        %add3A_702 = arith.constant 8 : i32
        %add3A_703 = arith.addi %mul3A_335, %add3A_702 : i32
        %mul3A_704 = arith.constant 16 : i32
        %mul3A_705 = arith.muli %scan3A_625, %mul3A_704 : i32
        %get3A_706 = arith.index_cast %add3A_703 : i32 to index
        %get3A_707 = arith.index_cast %mul3A_705 : i32 to index
        %get3A_708 = tpu.vector_load %arg15[%get3A_706, %get3A_707] {strides = array<i32>} : memref<64x1024xf32, #tpu.memory_space<vmem>>, vector<16xf32>,
        %mul3A_709 = arith.mulf %get3A_708, %get3A_629 : vector<16xf32>
        %add3A_710 = arith.addf %add3A_560, %mul3A_709 : vector<16xf32>
        %add3A_711 = arith.constant 9 : i32
        %add3A_712 = arith.addi %mul3A_335, %add3A_711 : i32
        %mul3A_713 = arith.constant 16 : i32
        %mul3A_714 = arith.muli %scan3A_625, %mul3A_713 : i32
        %get3A_715 = arith.index_cast %add3A_712 : i32 to index
        %get3A_716 = arith.index_cast %mul3A_714 : i32 to index
        %get3A_717 = tpu.vector_load %arg15[%get3A_715, %get3A_716] {strides = array<i32>} : memref<64x1024xf32, #tpu.memory_space<vmem>>, vector<16xf32>,
        %mul3A_718 = arith.mulf %get3A_717, %get3A_629 : vector<16xf32>
        %add3A_719 = arith.addf %add3A_569, %mul3A_718 : vector<16xf32>
        %add3A_720 = arith.constant 10 : i32
        %add3A_721 = arith.addi %mul3A_335, %add3A_720 : i32
        %mul3A_722 = arith.constant 16 : i32
        %mul3A_723 = arith.muli %scan3A_625, %mul3A_722 : i32
        %get3A_724 = arith.index_cast %add3A_721 : i32 to index
        %get3A_725 = arith.index_cast %mul3A_723 : i32 to index
        %get3A_726 = tpu.vector_load %arg15[%get3A_724, %get3A_725] {strides = array<i32>} : memref<64x1024xf32, #tpu.memory_space<vmem>>, vector<16xf32>,
        %mul3A_727 = arith.mulf %get3A_726, %get3A_629 : vector<16xf32>
        %add3A_728 = arith.addf %add3A_578, %mul3A_727 : vector<16xf32>
        %add3A_729 = arith.constant 11 : i32
        %add3A_730 = arith.addi %mul3A_335, %add3A_729 : i32
        %mul3A_731 = arith.constant 16 : i32
        %mul3A_732 = arith.muli %scan3A_625, %mul3A_731 : i32
        %get3A_733 = arith.index_cast %add3A_730 : i32 to index
        %get3A_734 = arith.index_cast %mul3A_732 : i32 to index
        %get3A_735 = tpu.vector_load %arg15[%get3A_733, %get3A_734] {strides = array<i32>} : memref<64x1024xf32, #tpu.memory_space<vmem>>, vector<16xf32>,
        %mul3A_736 = arith.mulf %get3A_735, %get3A_629 : vector<16xf32>
        %add3A_737 = arith.addf %add3A_587, %mul3A_736 : vector<16xf32>
        %add3A_738 = arith.constant 12 : i32
        %add3A_739 = arith.addi %mul3A_335, %add3A_738 : i32
        %mul3A_740 = arith.constant 16 : i32
        %mul3A_741 = arith.muli %scan3A_625, %mul3A_740 : i32
        %get3A_742 = arith.index_cast %add3A_739 : i32 to index
        %get3A_743 = arith.index_cast %mul3A_741 : i32 to index
        %get3A_744 = tpu.vector_load %arg15[%get3A_742, %get3A_743] {strides = array<i32>} : memref<64x1024xf32, #tpu.memory_space<vmem>>, vector<16xf32>,
        %mul3A_745 = arith.mulf %get3A_744, %get3A_629 : vector<16xf32>
        %add3A_746 = arith.addf %add3A_596, %mul3A_745 : vector<16xf32>
        %add3A_747 = arith.constant 13 : i32
        %add3A_748 = arith.addi %mul3A_335, %add3A_747 : i32
        %mul3A_749 = arith.constant 16 : i32
        %mul3A_750 = arith.muli %scan3A_625, %mul3A_749 : i32
        %get3A_751 = arith.index_cast %add3A_748 : i32 to index
        %get3A_752 = arith.index_cast %mul3A_750 : i32 to index
        %get3A_753 = tpu.vector_load %arg15[%get3A_751, %get3A_752] {strides = array<i32>} : memref<64x1024xf32, #tpu.memory_space<vmem>>, vector<16xf32>,
        %mul3A_754 = arith.mulf %get3A_753, %get3A_629 : vector<16xf32>
        %add3A_755 = arith.addf %add3A_605, %mul3A_754 : vector<16xf32>
        %add3A_756 = arith.constant 14 : i32
        %add3A_757 = arith.addi %mul3A_335, %add3A_756 : i32
        %mul3A_758 = arith.constant 16 : i32
        %mul3A_759 = arith.muli %scan3A_625, %mul3A_758 : i32
        %get3A_760 = arith.index_cast %add3A_757 : i32 to index
        %get3A_761 = arith.index_cast %mul3A_759 : i32 to index
        %get3A_762 = tpu.vector_load %arg15[%get3A_760, %get3A_761] {strides = array<i32>} : memref<64x1024xf32, #tpu.memory_space<vmem>>, vector<16xf32>,
        %mul3A_763 = arith.mulf %get3A_762, %get3A_629 : vector<16xf32>
        %add3A_764 = arith.addf %add3A_614, %mul3A_763 : vector<16xf32>
        %add3A_765 = arith.constant 15 : i32
        %add3A_766 = arith.addi %mul3A_335, %add3A_765 : i32
        %mul3A_767 = arith.constant 16 : i32
        %mul3A_768 = arith.muli %scan3A_625, %mul3A_767 : i32
        %get3A_769 = arith.index_cast %add3A_766 : i32 to index
        %get3A_770 = arith.index_cast %mul3A_768 : i32 to index
        %get3A_771 = tpu.vector_load %arg15[%get3A_769, %get3A_770] {strides = array<i32>} : memref<64x1024xf32, #tpu.memory_space<vmem>>, vector<16xf32>,
        %mul3A_772 = arith.mulf %get3A_771, %get3A_629 : vector<16xf32>
        %add3A_773 = arith.addf %add3A_623, %mul3A_772 : vector<16xf32>
        scf.yield %add3A_638, %add3A_647, %add3A_656, %add3A_665, %add3A_674, %add3A_683, %add3A_692, %add3A_701, %add3A_710, %add3A_719, %add3A_728, %add3A_737, %add3A_746, %add3A_755, %add3A_764, %add3A_773 : vector<16xf32>, vector<16xf32>, vector<16xf32>, vector<16xf32>, vector<16xf32>, vector<16xf32>, vector<16xf32>, vector<16xf32>, vector<16xf32>, vector<16xf32>, vector<16xf32>, vector<16xf32>, vector<16xf32>, vector<16xf32>, vector<16xf32>, vector<16xf32>
      }
      %scan3A_373 = arith.constant 64 : i32
      %scan3A_374 = arith.constant 0 : i32
      %scan3A_375 = arith.constant 16 : i32
      %scan3A_376 = arith.addi %scan3A_374, %scan3A_375 : i32
      %scan3A_377 = arith.constant 2 : i32
      %scan3A_378:16 = scf.for %scan3A_459 = %scan3A_374 to %scan3A_376 step %scan3A_377 iter_args(%scan3A_460 = %scan3A_372#0, %scan3A_461 = %scan3A_372#1, %scan3A_462 = %scan3A_372#2, %scan3A_463 = %scan3A_372#3, %scan3A_464 = %scan3A_372#4, %scan3A_465 = %scan3A_372#5, %scan3A_466 = %scan3A_372#6, %scan3A_467 = %scan3A_372#7, %scan3A_468 = %scan3A_372#8, %scan3A_469 = %scan3A_372#9, %scan3A_470 = %scan3A_372#10, %scan3A_471 = %scan3A_372#11, %scan3A_472 = %scan3A_372#12, %scan3A_473 = %scan3A_372#13, %scan3A_474 = %scan3A_372#14, %scan3A_475 = %scan3A_372#15) -> (vector<16xf32>, vector<16xf32>, vector<16xf32>, vector<16xf32>, vector<16xf32>, vector<16xf32>, vector<16xf32>, vector<16xf32>, vector<16xf32>, vector<16xf32>, vector<16xf32>, vector<16xf32>, vector<16xf32>, vector<16xf32>, vector<16xf32>, vector<16xf32>)  : i32 {
        %mul3A_476 = arith.constant 16 : i32
        %mul3A_477 = arith.muli %scan3A_459, %mul3A_476 : i32
        %add3A_478 = arith.constant 1024 : i32
        %add3A_479 = arith.addi %add3A_478, %mul3A_477 : i32
        %get3A_480 = arith.index_cast %add3A_479 : i32 to index
        %get3A_481 = tpu.vector_load %arg17[%get3A_480] {strides = array<i32>} : memref<2560xf32, #tpu.memory_space<vmem>>, vector<16xf32>,
        %add3A_482 = arith.constant 0 : i32
        %add3A_483 = arith.addi %mul3A_335, %add3A_482 : i32
        %mul3A_484 = arith.constant 16 : i32
        %mul3A_485 = arith.muli %scan3A_459, %mul3A_484 : i32
        %get3A_486 = arith.index_cast %add3A_483 : i32 to index
        %get3A_487 = arith.index_cast %mul3A_485 : i32 to index
        %get3A_488 = tpu.vector_load %arg16[%get3A_486, %get3A_487] {strides = array<i32>} : memref<64x256xf32, #tpu.memory_space<vmem>>, vector<16xf32>,
        %mul3A_489 = arith.mulf %get3A_488, %get3A_481 : vector<16xf32>
        %add3A_490 = arith.addf %scan3A_460, %mul3A_489 : vector<16xf32>
        %add3A_491 = arith.constant 1 : i32
        %add3A_492 = arith.addi %mul3A_335, %add3A_491 : i32
        %mul3A_493 = arith.constant 16 : i32
        %mul3A_494 = arith.muli %scan3A_459, %mul3A_493 : i32
        %get3A_495 = arith.index_cast %add3A_492 : i32 to index
        %get3A_496 = arith.index_cast %mul3A_494 : i32 to index
        %get3A_497 = tpu.vector_load %arg16[%get3A_495, %get3A_496] {strides = array<i32>} : memref<64x256xf32, #tpu.memory_space<vmem>>, vector<16xf32>,
        %mul3A_498 = arith.mulf %get3A_497, %get3A_481 : vector<16xf32>
        %add3A_499 = arith.addf %scan3A_461, %mul3A_498 : vector<16xf32>
        %add3A_500 = arith.constant 2 : i32
        %add3A_501 = arith.addi %mul3A_335, %add3A_500 : i32
        %mul3A_502 = arith.constant 16 : i32
        %mul3A_503 = arith.muli %scan3A_459, %mul3A_502 : i32
        %get3A_504 = arith.index_cast %add3A_501 : i32 to index
        %get3A_505 = arith.index_cast %mul3A_503 : i32 to index
        %get3A_506 = tpu.vector_load %arg16[%get3A_504, %get3A_505] {strides = array<i32>} : memref<64x256xf32, #tpu.memory_space<vmem>>, vector<16xf32>,
        %mul3A_507 = arith.mulf %get3A_506, %get3A_481 : vector<16xf32>
        %add3A_508 = arith.addf %scan3A_462, %mul3A_507 : vector<16xf32>
        %add3A_509 = arith.constant 3 : i32
        %add3A_510 = arith.addi %mul3A_335, %add3A_509 : i32
        %mul3A_511 = arith.constant 16 : i32
        %mul3A_512 = arith.muli %scan3A_459, %mul3A_511 : i32
        %get3A_513 = arith.index_cast %add3A_510 : i32 to index
        %get3A_514 = arith.index_cast %mul3A_512 : i32 to index
        %get3A_515 = tpu.vector_load %arg16[%get3A_513, %get3A_514] {strides = array<i32>} : memref<64x256xf32, #tpu.memory_space<vmem>>, vector<16xf32>,
        %mul3A_516 = arith.mulf %get3A_515, %get3A_481 : vector<16xf32>
        %add3A_517 = arith.addf %scan3A_463, %mul3A_516 : vector<16xf32>
        %add3A_518 = arith.constant 4 : i32
        %add3A_519 = arith.addi %mul3A_335, %add3A_518 : i32
        %mul3A_520 = arith.constant 16 : i32
        %mul3A_521 = arith.muli %scan3A_459, %mul3A_520 : i32
        %get3A_522 = arith.index_cast %add3A_519 : i32 to index
        %get3A_523 = arith.index_cast %mul3A_521 : i32 to index
        %get3A_524 = tpu.vector_load %arg16[%get3A_522, %get3A_523] {strides = array<i32>} : memref<64x256xf32, #tpu.memory_space<vmem>>, vector<16xf32>,
        %mul3A_525 = arith.mulf %get3A_524, %get3A_481 : vector<16xf32>
        %add3A_526 = arith.addf %scan3A_464, %mul3A_525 : vector<16xf32>
        %add3A_527 = arith.constant 5 : i32
        %add3A_528 = arith.addi %mul3A_335, %add3A_527 : i32
        %mul3A_529 = arith.constant 16 : i32
        %mul3A_530 = arith.muli %scan3A_459, %mul3A_529 : i32
        %get3A_531 = arith.index_cast %add3A_528 : i32 to index
        %get3A_532 = arith.index_cast %mul3A_530 : i32 to index
        %get3A_533 = tpu.vector_load %arg16[%get3A_531, %get3A_532] {strides = array<i32>} : memref<64x256xf32, #tpu.memory_space<vmem>>, vector<16xf32>,
        %mul3A_534 = arith.mulf %get3A_533, %get3A_481 : vector<16xf32>
        %add3A_535 = arith.addf %scan3A_465, %mul3A_534 : vector<16xf32>
        %add3A_536 = arith.constant 6 : i32
        %add3A_537 = arith.addi %mul3A_335, %add3A_536 : i32
        %mul3A_538 = arith.constant 16 : i32
        %mul3A_539 = arith.muli %scan3A_459, %mul3A_538 : i32
        %get3A_540 = arith.index_cast %add3A_537 : i32 to index
        %get3A_541 = arith.index_cast %mul3A_539 : i32 to index
        %get3A_542 = tpu.vector_load %arg16[%get3A_540, %get3A_541] {strides = array<i32>} : memref<64x256xf32, #tpu.memory_space<vmem>>, vector<16xf32>,
        %mul3A_543 = arith.mulf %get3A_542, %get3A_481 : vector<16xf32>
        %add3A_544 = arith.addf %scan3A_466, %mul3A_543 : vector<16xf32>
        %add3A_545 = arith.constant 7 : i32
        %add3A_546 = arith.addi %mul3A_335, %add3A_545 : i32
        %mul3A_547 = arith.constant 16 : i32
        %mul3A_548 = arith.muli %scan3A_459, %mul3A_547 : i32
        %get3A_549 = arith.index_cast %add3A_546 : i32 to index
        %get3A_550 = arith.index_cast %mul3A_548 : i32 to index
        %get3A_551 = tpu.vector_load %arg16[%get3A_549, %get3A_550] {strides = array<i32>} : memref<64x256xf32, #tpu.memory_space<vmem>>, vector<16xf32>,
        %mul3A_552 = arith.mulf %get3A_551, %get3A_481 : vector<16xf32>
        %add3A_553 = arith.addf %scan3A_467, %mul3A_552 : vector<16xf32>
        %add3A_554 = arith.constant 8 : i32
        %add3A_555 = arith.addi %mul3A_335, %add3A_554 : i32
        %mul3A_556 = arith.constant 16 : i32
        %mul3A_557 = arith.muli %scan3A_459, %mul3A_556 : i32
        %get3A_558 = arith.index_cast %add3A_555 : i32 to index
        %get3A_559 = arith.index_cast %mul3A_557 : i32 to index
        %get3A_560 = tpu.vector_load %arg16[%get3A_558, %get3A_559] {strides = array<i32>} : memref<64x256xf32, #tpu.memory_space<vmem>>, vector<16xf32>,
        %mul3A_561 = arith.mulf %get3A_560, %get3A_481 : vector<16xf32>
        %add3A_562 = arith.addf %scan3A_468, %mul3A_561 : vector<16xf32>
        %add3A_563 = arith.constant 9 : i32
        %add3A_564 = arith.addi %mul3A_335, %add3A_563 : i32
        %mul3A_565 = arith.constant 16 : i32
        %mul3A_566 = arith.muli %scan3A_459, %mul3A_565 : i32
        %get3A_567 = arith.index_cast %add3A_564 : i32 to index
        %get3A_568 = arith.index_cast %mul3A_566 : i32 to index
        %get3A_569 = tpu.vector_load %arg16[%get3A_567, %get3A_568] {strides = array<i32>} : memref<64x256xf32, #tpu.memory_space<vmem>>, vector<16xf32>,
        %mul3A_570 = arith.mulf %get3A_569, %get3A_481 : vector<16xf32>
        %add3A_571 = arith.addf %scan3A_469, %mul3A_570 : vector<16xf32>
        %add3A_572 = arith.constant 10 : i32
        %add3A_573 = arith.addi %mul3A_335, %add3A_572 : i32
        %mul3A_574 = arith.constant 16 : i32
        %mul3A_575 = arith.muli %scan3A_459, %mul3A_574 : i32
        %get3A_576 = arith.index_cast %add3A_573 : i32 to index
        %get3A_577 = arith.index_cast %mul3A_575 : i32 to index
        %get3A_578 = tpu.vector_load %arg16[%get3A_576, %get3A_577] {strides = array<i32>} : memref<64x256xf32, #tpu.memory_space<vmem>>, vector<16xf32>,
        %mul3A_579 = arith.mulf %get3A_578, %get3A_481 : vector<16xf32>
        %add3A_580 = arith.addf %scan3A_470, %mul3A_579 : vector<16xf32>
        %add3A_581 = arith.constant 11 : i32
        %add3A_582 = arith.addi %mul3A_335, %add3A_581 : i32
        %mul3A_583 = arith.constant 16 : i32
        %mul3A_584 = arith.muli %scan3A_459, %mul3A_583 : i32
        %get3A_585 = arith.index_cast %add3A_582 : i32 to index
        %get3A_586 = arith.index_cast %mul3A_584 : i32 to index
        %get3A_587 = tpu.vector_load %arg16[%get3A_585, %get3A_586] {strides = array<i32>} : memref<64x256xf32, #tpu.memory_space<vmem>>, vector<16xf32>,
        %mul3A_588 = arith.mulf %get3A_587, %get3A_481 : vector<16xf32>
        %add3A_589 = arith.addf %scan3A_471, %mul3A_588 : vector<16xf32>
        %add3A_590 = arith.constant 12 : i32
        %add3A_591 = arith.addi %mul3A_335, %add3A_590 : i32
        %mul3A_592 = arith.constant 16 : i32
        %mul3A_593 = arith.muli %scan3A_459, %mul3A_592 : i32
        %get3A_594 = arith.index_cast %add3A_591 : i32 to index
        %get3A_595 = arith.index_cast %mul3A_593 : i32 to index
        %get3A_596 = tpu.vector_load %arg16[%get3A_594, %get3A_595] {strides = array<i32>} : memref<64x256xf32, #tpu.memory_space<vmem>>, vector<16xf32>,
        %mul3A_597 = arith.mulf %get3A_596, %get3A_481 : vector<16xf32>
        %add3A_598 = arith.addf %scan3A_472, %mul3A_597 : vector<16xf32>
        %add3A_599 = arith.constant 13 : i32
        %add3A_600 = arith.addi %mul3A_335, %add3A_599 : i32
        %mul3A_601 = arith.constant 16 : i32
        %mul3A_602 = arith.muli %scan3A_459, %mul3A_601 : i32
        %get3A_603 = arith.index_cast %add3A_600 : i32 to index
        %get3A_604 = arith.index_cast %mul3A_602 : i32 to index
        %get3A_605 = tpu.vector_load %arg16[%get3A_603, %get3A_604] {strides = array<i32>} : memref<64x256xf32, #tpu.memory_space<vmem>>, vector<16xf32>,
        %mul3A_606 = arith.mulf %get3A_605, %get3A_481 : vector<16xf32>
        %add3A_607 = arith.addf %scan3A_473, %mul3A_606 : vector<16xf32>
        %add3A_608 = arith.constant 14 : i32
        %add3A_609 = arith.addi %mul3A_335, %add3A_608 : i32
        %mul3A_610 = arith.constant 16 : i32
        %mul3A_611 = arith.muli %scan3A_459, %mul3A_610 : i32
        %get3A_612 = arith.index_cast %add3A_609 : i32 to index
        %get3A_613 = arith.index_cast %mul3A_611 : i32 to index
        %get3A_614 = tpu.vector_load %arg16[%get3A_612, %get3A_613] {strides = array<i32>} : memref<64x256xf32, #tpu.memory_space<vmem>>, vector<16xf32>,
        %mul3A_615 = arith.mulf %get3A_614, %get3A_481 : vector<16xf32>
        %add3A_616 = arith.addf %scan3A_474, %mul3A_615 : vector<16xf32>
        %add3A_617 = arith.constant 15 : i32
        %add3A_618 = arith.addi %mul3A_335, %add3A_617 : i32
        %mul3A_619 = arith.constant 16 : i32
        %mul3A_620 = arith.muli %scan3A_459, %mul3A_619 : i32
        %get3A_621 = arith.index_cast %add3A_618 : i32 to index
        %get3A_622 = arith.index_cast %mul3A_620 : i32 to index
        %get3A_623 = tpu.vector_load %arg16[%get3A_621, %get3A_622] {strides = array<i32>} : memref<64x256xf32, #tpu.memory_space<vmem>>, vector<16xf32>,
        %mul3A_624 = arith.mulf %get3A_623, %get3A_481 : vector<16xf32>
        %add3A_625 = arith.addf %scan3A_475, %mul3A_624 : vector<16xf32>
        %scan3A_626 = arith.constant 1 : i32
        %scan3A_627 = arith.addi %scan3A_459, %scan3A_626 : i32
        %mul3A_628 = arith.constant 16 : i32
        %mul3A_629 = arith.muli %scan3A_627, %mul3A_628 : i32
        %add3A_630 = arith.constant 1024 : i32
        %add3A_631 = arith.addi %add3A_630, %mul3A_629 : i32
        %get3A_632 = arith.index_cast %add3A_631 : i32 to index
        %get3A_633 = tpu.vector_load %arg17[%get3A_632] {strides = array<i32>} : memref<2560xf32, #tpu.memory_space<vmem>>, vector<16xf32>,
        %add3A_634 = arith.constant 0 : i32
        %add3A_635 = arith.addi %mul3A_335, %add3A_634 : i32
        %mul3A_636 = arith.constant 16 : i32
        %mul3A_637 = arith.muli %scan3A_627, %mul3A_636 : i32
        %get3A_638 = arith.index_cast %add3A_635 : i32 to index
        %get3A_639 = arith.index_cast %mul3A_637 : i32 to index
        %get3A_640 = tpu.vector_load %arg16[%get3A_638, %get3A_639] {strides = array<i32>} : memref<64x256xf32, #tpu.memory_space<vmem>>, vector<16xf32>,
        %mul3A_641 = arith.mulf %get3A_640, %get3A_633 : vector<16xf32>
        %add3A_642 = arith.addf %add3A_490, %mul3A_641 : vector<16xf32>
        %add3A_643 = arith.constant 1 : i32
        %add3A_644 = arith.addi %mul3A_335, %add3A_643 : i32
        %mul3A_645 = arith.constant 16 : i32
        %mul3A_646 = arith.muli %scan3A_627, %mul3A_645 : i32
        %get3A_647 = arith.index_cast %add3A_644 : i32 to index
        %get3A_648 = arith.index_cast %mul3A_646 : i32 to index
        %get3A_649 = tpu.vector_load %arg16[%get3A_647, %get3A_648] {strides = array<i32>} : memref<64x256xf32, #tpu.memory_space<vmem>>, vector<16xf32>,
        %mul3A_650 = arith.mulf %get3A_649, %get3A_633 : vector<16xf32>
        %add3A_651 = arith.addf %add3A_499, %mul3A_650 : vector<16xf32>
        %add3A_652 = arith.constant 2 : i32
        %add3A_653 = arith.addi %mul3A_335, %add3A_652 : i32
        %mul3A_654 = arith.constant 16 : i32
        %mul3A_655 = arith.muli %scan3A_627, %mul3A_654 : i32
        %get3A_656 = arith.index_cast %add3A_653 : i32 to index
        %get3A_657 = arith.index_cast %mul3A_655 : i32 to index
        %get3A_658 = tpu.vector_load %arg16[%get3A_656, %get3A_657] {strides = array<i32>} : memref<64x256xf32, #tpu.memory_space<vmem>>, vector<16xf32>,
        %mul3A_659 = arith.mulf %get3A_658, %get3A_633 : vector<16xf32>
        %add3A_660 = arith.addf %add3A_508, %mul3A_659 : vector<16xf32>
        %add3A_661 = arith.constant 3 : i32
        %add3A_662 = arith.addi %mul3A_335, %add3A_661 : i32
        %mul3A_663 = arith.constant 16 : i32
        %mul3A_664 = arith.muli %scan3A_627, %mul3A_663 : i32
        %get3A_665 = arith.index_cast %add3A_662 : i32 to index
        %get3A_666 = arith.index_cast %mul3A_664 : i32 to index
        %get3A_667 = tpu.vector_load %arg16[%get3A_665, %get3A_666] {strides = array<i32>} : memref<64x256xf32, #tpu.memory_space<vmem>>, vector<16xf32>,
        %mul3A_668 = arith.mulf %get3A_667, %get3A_633 : vector<16xf32>
        %add3A_669 = arith.addf %add3A_517, %mul3A_668 : vector<16xf32>
        %add3A_670 = arith.constant 4 : i32
        %add3A_671 = arith.addi %mul3A_335, %add3A_670 : i32
        %mul3A_672 = arith.constant 16 : i32
        %mul3A_673 = arith.muli %scan3A_627, %mul3A_672 : i32
        %get3A_674 = arith.index_cast %add3A_671 : i32 to index
        %get3A_675 = arith.index_cast %mul3A_673 : i32 to index
        %get3A_676 = tpu.vector_load %arg16[%get3A_674, %get3A_675] {strides = array<i32>} : memref<64x256xf32, #tpu.memory_space<vmem>>, vector<16xf32>,
        %mul3A_677 = arith.mulf %get3A_676, %get3A_633 : vector<16xf32>
        %add3A_678 = arith.addf %add3A_526, %mul3A_677 : vector<16xf32>
        %add3A_679 = arith.constant 5 : i32
        %add3A_680 = arith.addi %mul3A_335, %add3A_679 : i32
        %mul3A_681 = arith.constant 16 : i32
        %mul3A_682 = arith.muli %scan3A_627, %mul3A_681 : i32
        %get3A_683 = arith.index_cast %add3A_680 : i32 to index
        %get3A_684 = arith.index_cast %mul3A_682 : i32 to index
        %get3A_685 = tpu.vector_load %arg16[%get3A_683, %get3A_684] {strides = array<i32>} : memref<64x256xf32, #tpu.memory_space<vmem>>, vector<16xf32>,
        %mul3A_686 = arith.mulf %get3A_685, %get3A_633 : vector<16xf32>
        %add3A_687 = arith.addf %add3A_535, %mul3A_686 : vector<16xf32>
        %add3A_688 = arith.constant 6 : i32
        %add3A_689 = arith.addi %mul3A_335, %add3A_688 : i32
        %mul3A_690 = arith.constant 16 : i32
        %mul3A_691 = arith.muli %scan3A_627, %mul3A_690 : i32
        %get3A_692 = arith.index_cast %add3A_689 : i32 to index
        %get3A_693 = arith.index_cast %mul3A_691 : i32 to index
        %get3A_694 = tpu.vector_load %arg16[%get3A_692, %get3A_693] {strides = array<i32>} : memref<64x256xf32, #tpu.memory_space<vmem>>, vector<16xf32>,
        %mul3A_695 = arith.mulf %get3A_694, %get3A_633 : vector<16xf32>
        %add3A_696 = arith.addf %add3A_544, %mul3A_695 : vector<16xf32>
        %add3A_697 = arith.constant 7 : i32
        %add3A_698 = arith.addi %mul3A_335, %add3A_697 : i32
        %mul3A_699 = arith.constant 16 : i32
        %mul3A_700 = arith.muli %scan3A_627, %mul3A_699 : i32
        %get3A_701 = arith.index_cast %add3A_698 : i32 to index
        %get3A_702 = arith.index_cast %mul3A_700 : i32 to index
        %get3A_703 = tpu.vector_load %arg16[%get3A_701, %get3A_702] {strides = array<i32>} : memref<64x256xf32, #tpu.memory_space<vmem>>, vector<16xf32>,
        %mul3A_704 = arith.mulf %get3A_703, %get3A_633 : vector<16xf32>
        %add3A_705 = arith.addf %add3A_553, %mul3A_704 : vector<16xf32>
        %add3A_706 = arith.constant 8 : i32
        %add3A_707 = arith.addi %mul3A_335, %add3A_706 : i32
        %mul3A_708 = arith.constant 16 : i32
        %mul3A_709 = arith.muli %scan3A_627, %mul3A_708 : i32
        %get3A_710 = arith.index_cast %add3A_707 : i32 to index
        %get3A_711 = arith.index_cast %mul3A_709 : i32 to index
        %get3A_712 = tpu.vector_load %arg16[%get3A_710, %get3A_711] {strides = array<i32>} : memref<64x256xf32, #tpu.memory_space<vmem>>, vector<16xf32>,
        %mul3A_713 = arith.mulf %get3A_712, %get3A_633 : vector<16xf32>
        %add3A_714 = arith.addf %add3A_562, %mul3A_713 : vector<16xf32>
        %add3A_715 = arith.constant 9 : i32
        %add3A_716 = arith.addi %mul3A_335, %add3A_715 : i32
        %mul3A_717 = arith.constant 16 : i32
        %mul3A_718 = arith.muli %scan3A_627, %mul3A_717 : i32
        %get3A_719 = arith.index_cast %add3A_716 : i32 to index
        %get3A_720 = arith.index_cast %mul3A_718 : i32 to index
        %get3A_721 = tpu.vector_load %arg16[%get3A_719, %get3A_720] {strides = array<i32>} : memref<64x256xf32, #tpu.memory_space<vmem>>, vector<16xf32>,
        %mul3A_722 = arith.mulf %get3A_721, %get3A_633 : vector<16xf32>
        %add3A_723 = arith.addf %add3A_571, %mul3A_722 : vector<16xf32>
        %add3A_724 = arith.constant 10 : i32
        %add3A_725 = arith.addi %mul3A_335, %add3A_724 : i32
        %mul3A_726 = arith.constant 16 : i32
        %mul3A_727 = arith.muli %scan3A_627, %mul3A_726 : i32
        %get3A_728 = arith.index_cast %add3A_725 : i32 to index
        %get3A_729 = arith.index_cast %mul3A_727 : i32 to index
        %get3A_730 = tpu.vector_load %arg16[%get3A_728, %get3A_729] {strides = array<i32>} : memref<64x256xf32, #tpu.memory_space<vmem>>, vector<16xf32>,
        %mul3A_731 = arith.mulf %get3A_730, %get3A_633 : vector<16xf32>
        %add3A_732 = arith.addf %add3A_580, %mul3A_731 : vector<16xf32>
        %add3A_733 = arith.constant 11 : i32
        %add3A_734 = arith.addi %mul3A_335, %add3A_733 : i32
        %mul3A_735 = arith.constant 16 : i32
        %mul3A_736 = arith.muli %scan3A_627, %mul3A_735 : i32
        %get3A_737 = arith.index_cast %add3A_734 : i32 to index
        %get3A_738 = arith.index_cast %mul3A_736 : i32 to index
        %get3A_739 = tpu.vector_load %arg16[%get3A_737, %get3A_738] {strides = array<i32>} : memref<64x256xf32, #tpu.memory_space<vmem>>, vector<16xf32>,
        %mul3A_740 = arith.mulf %get3A_739, %get3A_633 : vector<16xf32>
        %add3A_741 = arith.addf %add3A_589, %mul3A_740 : vector<16xf32>
        %add3A_742 = arith.constant 12 : i32
        %add3A_743 = arith.addi %mul3A_335, %add3A_742 : i32
        %mul3A_744 = arith.constant 16 : i32
        %mul3A_745 = arith.muli %scan3A_627, %mul3A_744 : i32
        %get3A_746 = arith.index_cast %add3A_743 : i32 to index
        %get3A_747 = arith.index_cast %mul3A_745 : i32 to index
        %get3A_748 = tpu.vector_load %arg16[%get3A_746, %get3A_747] {strides = array<i32>} : memref<64x256xf32, #tpu.memory_space<vmem>>, vector<16xf32>,
        %mul3A_749 = arith.mulf %get3A_748, %get3A_633 : vector<16xf32>
        %add3A_750 = arith.addf %add3A_598, %mul3A_749 : vector<16xf32>
        %add3A_751 = arith.constant 13 : i32
        %add3A_752 = arith.addi %mul3A_335, %add3A_751 : i32
        %mul3A_753 = arith.constant 16 : i32
        %mul3A_754 = arith.muli %scan3A_627, %mul3A_753 : i32
        %get3A_755 = arith.index_cast %add3A_752 : i32 to index
        %get3A_756 = arith.index_cast %mul3A_754 : i32 to index
        %get3A_757 = tpu.vector_load %arg16[%get3A_755, %get3A_756] {strides = array<i32>} : memref<64x256xf32, #tpu.memory_space<vmem>>, vector<16xf32>,
        %mul3A_758 = arith.mulf %get3A_757, %get3A_633 : vector<16xf32>
        %add3A_759 = arith.addf %add3A_607, %mul3A_758 : vector<16xf32>
        %add3A_760 = arith.constant 14 : i32
        %add3A_761 = arith.addi %mul3A_335, %add3A_760 : i32
        %mul3A_762 = arith.constant 16 : i32
        %mul3A_763 = arith.muli %scan3A_627, %mul3A_762 : i32
        %get3A_764 = arith.index_cast %add3A_761 : i32 to index
        %get3A_765 = arith.index_cast %mul3A_763 : i32 to index
        %get3A_766 = tpu.vector_load %arg16[%get3A_764, %get3A_765] {strides = array<i32>} : memref<64x256xf32, #tpu.memory_space<vmem>>, vector<16xf32>,
        %mul3A_767 = arith.mulf %get3A_766, %get3A_633 : vector<16xf32>
        %add3A_768 = arith.addf %add3A_616, %mul3A_767 : vector<16xf32>
        %add3A_769 = arith.constant 15 : i32
        %add3A_770 = arith.addi %mul3A_335, %add3A_769 : i32
        %mul3A_771 = arith.constant 16 : i32
        %mul3A_772 = arith.muli %scan3A_627, %mul3A_771 : i32
        %get3A_773 = arith.index_cast %add3A_770 : i32 to index
        %get3A_774 = arith.index_cast %mul3A_772 : i32 to index
        %get3A_775 = tpu.vector_load %arg16[%get3A_773, %get3A_774] {strides = array<i32>} : memref<64x256xf32, #tpu.memory_space<vmem>>, vector<16xf32>,
        %mul3A_776 = arith.mulf %get3A_775, %get3A_633 : vector<16xf32>
        %add3A_777 = arith.addf %add3A_625, %mul3A_776 : vector<16xf32>
        scf.yield %add3A_642, %add3A_651, %add3A_660, %add3A_669, %add3A_678, %add3A_687, %add3A_696, %add3A_705, %add3A_714, %add3A_723, %add3A_732, %add3A_741, %add3A_750, %add3A_759, %add3A_768, %add3A_777 : vector<16xf32>, vector<16xf32>, vector<16xf32>, vector<16xf32>, vector<16xf32>, vector<16xf32>, vector<16xf32>, vector<16xf32>, vector<16xf32>, vector<16xf32>, vector<16xf32>, vector<16xf32>, vector<16xf32>, vector<16xf32>, vector<16xf32>, vector<16xf32>
      }
      %scan3A_379 = arith.constant 16 : i32
      %add3A_380 = arith.constant 0 : i32
      %add3A_381 = arith.addi %mul3A_335, %add3A_380 : i32
      %swap3A = arith.index_cast %add3A_381 : i32 to index
      %swap3A_382 = arith.constant 0 : index
      %swap3A_383 = tpu.vector_load %arg19[%swap3A, %swap3A_382] {strides = array<i32>} : memref<64x16xf32, #tpu.memory_space<vmem>>, vector<16xf32>,
      tpu.vector_store %arg19[%swap3A, %swap3A_382], %scan3A_378#0 {strides = array<i32>} : memref<64x16xf32, #tpu.memory_space<vmem>>, vector<16xf32>,
      %add3A_384 = arith.constant 1 : i32
      %add3A_385 = arith.addi %mul3A_335, %add3A_384 : i32
      %swap3A_386 = arith.index_cast %add3A_385 : i32 to index
      %swap3A_387 = arith.constant 0 : index
      %swap3A_388 = tpu.vector_load %arg19[%swap3A_386, %swap3A_387] {strides = array<i32>} : memref<64x16xf32, #tpu.memory_space<vmem>>, vector<16xf32>,
      tpu.vector_store %arg19[%swap3A_386, %swap3A_387], %scan3A_378#1 {strides = array<i32>} : memref<64x16xf32, #tpu.memory_space<vmem>>, vector<16xf32>,
      %add3A_389 = arith.constant 2 : i32
      %add3A_390 = arith.addi %mul3A_335, %add3A_389 : i32
      %swap3A_391 = arith.index_cast %add3A_390 : i32 to index
      %swap3A_392 = arith.constant 0 : index
      %swap3A_393 = tpu.vector_load %arg19[%swap3A_391, %swap3A_392] {strides = array<i32>} : memref<64x16xf32, #tpu.memory_space<vmem>>, vector<16xf32>,
      tpu.vector_store %arg19[%swap3A_391, %swap3A_392], %scan3A_378#2 {strides = array<i32>} : memref<64x16xf32, #tpu.memory_space<vmem>>, vector<16xf32>,
      %add3A_394 = arith.constant 3 : i32
      %add3A_395 = arith.addi %mul3A_335, %add3A_394 : i32
      %swap3A_396 = arith.index_cast %add3A_395 : i32 to index
      %swap3A_397 = arith.constant 0 : index
      %swap3A_398 = tpu.vector_load %arg19[%swap3A_396, %swap3A_397] {strides = array<i32>} : memref<64x16xf32, #tpu.memory_space<vmem>>, vector<16xf32>,
      tpu.vector_store %arg19[%swap3A_396, %swap3A_397], %scan3A_378#3 {strides = array<i32>} : memref<64x16xf32, #tpu.memory_space<vmem>>, vector<16xf32>,
      %add3A_399 = arith.constant 4 : i32
      %add3A_400 = arith.addi %mul3A_335, %add3A_399 : i32
      %swap3A_401 = arith.index_cast %add3A_400 : i32 to index
      %swap3A_402 = arith.constant 0 : index
      %swap3A_403 = tpu.vector_load %arg19[%swap3A_401, %swap3A_402] {strides = array<i32>} : memref<64x16xf32, #tpu.memory_space<vmem>>, vector<16xf32>,
      tpu.vector_store %arg19[%swap3A_401, %swap3A_402], %scan3A_378#4 {strides = array<i32>} : memref<64x16xf32, #tpu.memory_space<vmem>>, vector<16xf32>,
      %add3A_404 = arith.constant 5 : i32
      %add3A_405 = arith.addi %mul3A_335, %add3A_404 : i32
      %swap3A_406 = arith.index_cast %add3A_405 : i32 to index
      %swap3A_407 = arith.constant 0 : index
      %swap3A_408 = tpu.vector_load %arg19[%swap3A_406, %swap3A_407] {strides = array<i32>} : memref<64x16xf32, #tpu.memory_space<vmem>>, vector<16xf32>,
      tpu.vector_store %arg19[%swap3A_406, %swap3A_407], %scan3A_378#5 {strides = array<i32>} : memref<64x16xf32, #tpu.memory_space<vmem>>, vector<16xf32>,
      %add3A_409 = arith.constant 6 : i32
      %add3A_410 = arith.addi %mul3A_335, %add3A_409 : i32
      %swap3A_411 = arith.index_cast %add3A_410 : i32 to index
      %swap3A_412 = arith.constant 0 : index
      %swap3A_413 = tpu.vector_load %arg19[%swap3A_411, %swap3A_412] {strides = array<i32>} : memref<64x16xf32, #tpu.memory_space<vmem>>, vector<16xf32>,
      tpu.vector_store %arg19[%swap3A_411, %swap3A_412], %scan3A_378#6 {strides = array<i32>} : memref<64x16xf32, #tpu.memory_space<vmem>>, vector<16xf32>,
      %add3A_414 = arith.constant 7 : i32
      %add3A_415 = arith.addi %mul3A_335, %add3A_414 : i32
      %swap3A_416 = arith.index_cast %add3A_415 : i32 to index
      %swap3A_417 = arith.constant 0 : index
      %swap3A_418 = tpu.vector_load %arg19[%swap3A_416, %swap3A_417] {strides = array<i32>} : memref<64x16xf32, #tpu.memory_space<vmem>>, vector<16xf32>,
      tpu.vector_store %arg19[%swap3A_416, %swap3A_417], %scan3A_378#7 {strides = array<i32>} : memref<64x16xf32, #tpu.memory_space<vmem>>, vector<16xf32>,
      %add3A_419 = arith.constant 8 : i32
      %add3A_420 = arith.addi %mul3A_335, %add3A_419 : i32
      %swap3A_421 = arith.index_cast %add3A_420 : i32 to index
      %swap3A_422 = arith.constant 0 : index
      %swap3A_423 = tpu.vector_load %arg19[%swap3A_421, %swap3A_422] {strides = array<i32>} : memref<64x16xf32, #tpu.memory_space<vmem>>, vector<16xf32>,
      tpu.vector_store %arg19[%swap3A_421, %swap3A_422], %scan3A_378#8 {strides = array<i32>} : memref<64x16xf32, #tpu.memory_space<vmem>>, vector<16xf32>,
      %add3A_424 = arith.constant 9 : i32
      %add3A_425 = arith.addi %mul3A_335, %add3A_424 : i32
      %swap3A_426 = arith.index_cast %add3A_425 : i32 to index
      %swap3A_427 = arith.constant 0 : index
      %swap3A_428 = tpu.vector_load %arg19[%swap3A_426, %swap3A_427] {strides = array<i32>} : memref<64x16xf32, #tpu.memory_space<vmem>>, vector<16xf32>,
      tpu.vector_store %arg19[%swap3A_426, %swap3A_427], %scan3A_378#9 {strides = array<i32>} : memref<64x16xf32, #tpu.memory_space<vmem>>, vector<16xf32>,
      %add3A_429 = arith.constant 10 : i32
      %add3A_430 = arith.addi %mul3A_335, %add3A_429 : i32
      %swap3A_431 = arith.index_cast %add3A_430 : i32 to index
      %swap3A_432 = arith.constant 0 : index
      %swap3A_433 = tpu.vector_load %arg19[%swap3A_431, %swap3A_432] {strides = array<i32>} : memref<64x16xf32, #tpu.memory_space<vmem>>, vector<16xf32>,
      tpu.vector_store %arg19[%swap3A_431, %swap3A_432], %scan3A_378#10 {strides = array<i32>} : memref<64x16xf32, #tpu.memory_space<vmem>>, vector<16xf32>,
      %add3A_434 = arith.constant 11 : i32
      %add3A_435 = arith.addi %mul3A_335, %add3A_434 : i32
      %swap3A_436 = arith.index_cast %add3A_435 : i32 to index
      %swap3A_437 = arith.constant 0 : index
      %swap3A_438 = tpu.vector_load %arg19[%swap3A_436, %swap3A_437] {strides = array<i32>} : memref<64x16xf32, #tpu.memory_space<vmem>>, vector<16xf32>,
      tpu.vector_store %arg19[%swap3A_436, %swap3A_437], %scan3A_378#11 {strides = array<i32>} : memref<64x16xf32, #tpu.memory_space<vmem>>, vector<16xf32>,
      %add3A_439 = arith.constant 12 : i32
      %add3A_440 = arith.addi %mul3A_335, %add3A_439 : i32
      %swap3A_441 = arith.index_cast %add3A_440 : i32 to index
      %swap3A_442 = arith.constant 0 : index
      %swap3A_443 = tpu.vector_load %arg19[%swap3A_441, %swap3A_442] {strides = array<i32>} : memref<64x16xf32, #tpu.memory_space<vmem>>, vector<16xf32>,
      tpu.vector_store %arg19[%swap3A_441, %swap3A_442], %scan3A_378#12 {strides = array<i32>} : memref<64x16xf32, #tpu.memory_space<vmem>>, vector<16xf32>,
      %add3A_444 = arith.constant 13 : i32
      %add3A_445 = arith.addi %mul3A_335, %add3A_444 : i32
      %swap3A_446 = arith.index_cast %add3A_445 : i32 to index
      %swap3A_447 = arith.constant 0 : index
      %swap3A_448 = tpu.vector_load %arg19[%swap3A_446, %swap3A_447] {strides = array<i32>} : memref<64x16xf32, #tpu.memory_space<vmem>>, vector<16xf32>,
      tpu.vector_store %arg19[%swap3A_446, %swap3A_447], %scan3A_378#13 {strides = array<i32>} : memref<64x16xf32, #tpu.memory_space<vmem>>, vector<16xf32>,
      %add3A_449 = arith.constant 14 : i32
      %add3A_450 = arith.addi %mul3A_335, %add3A_449 : i32
      %swap3A_451 = arith.index_cast %add3A_450 : i32 to index
      %swap3A_452 = arith.constant 0 : index
      %swap3A_453 = tpu.vector_load %arg19[%swap3A_451, %swap3A_452] {strides = array<i32>} : memref<64x16xf32, #tpu.memory_space<vmem>>, vector<16xf32>,
      tpu.vector_store %arg19[%swap3A_451, %swap3A_452], %scan3A_378#14 {strides = array<i32>} : memref<64x16xf32, #tpu.memory_space<vmem>>, vector<16xf32>,
      %add3A_454 = arith.constant 15 : i32
      %add3A_455 = arith.addi %mul3A_335, %add3A_454 : i32
      %swap3A_456 = arith.index_cast %add3A_455 : i32 to index
      %swap3A_457 = arith.constant 0 : index
      %swap3A_458 = tpu.vector_load %arg19[%swap3A_456, %swap3A_457] {strides = array<i32>} : memref<64x16xf32, #tpu.memory_space<vmem>>, vector<16xf32>,
      tpu.vector_store %arg19[%swap3A_456, %swap3A_457], %scan3A_378#15 {strides = array<i32>} : memref<64x16xf32, #tpu.memory_space<vmem>>, vector<16xf32>,
    }
    %scan3A_302 = arith.constant 4 : i32
    %eq3A_303 = arith.constant 0 : i32
    %eq3A_304 = arith.cmpi eq, %mul3A_32, %eq3A_303 : i32
    %convert_element_type3A = arith.extui %eq3A_304 : i1 to i32
    %cond3A = arith.constant 0 : i32
    %cond3A_305 = arith.cmpi ne, %convert_element_type3A, %cond3A : i32
    scf.if %cond3A_305 {
      %broadcast_in_dim3A_313 = vector.broadcast %add3A_289 : f32 to vector<16xf32>
      %select_n3A_314 = arith.select %eq3A_273, %broadcast_in_dim3A_313, %broadcast_in_dim3A_274 : vector<16xi1>, vector<16xf32>
      %scan3A_315 = arith.constant 0 : i32
      %scan3A_316 = arith.constant 64 : i32
      %scan3A_317 = arith.addi %scan3A_315, %scan3A_316 : i32
      %scan3A_318 = arith.constant 4 : i32
      %scan3A_319 = scf.for %scan3A_330 = %scan3A_315 to %scan3A_317 step %scan3A_318 iter_args(%scan3A_331 = %select_n3A_314) -> (vector<16xf32>)  : i32 {
        %mul3A_332 = arith.constant 16 : i32
        %mul3A_333 = arith.muli %scan3A_330, %mul3A_332 : i32
        %get3A_334 = arith.constant 0 : i32
        %get3A_335 = arith.index_cast %get3A_334 : i32 to index
        %get3A_336 = arith.index_cast %mul3A_333 : i32 to index
        %get3A_337 = tpu.vector_load %arg15[%get3A_335, %get3A_336] {strides = array<i32>} : memref<64x1024xf32, #tpu.memory_space<vmem>>, vector<16xf32>,
        %mul3A_338 = arith.constant 16 : i32
        %mul3A_339 = arith.muli %scan3A_330, %mul3A_338 : i32
        %add3A_340 = arith.constant 1280 : i32
        %add3A_341 = arith.addi %add3A_340, %mul3A_339 : i32
        %get3A_342 = arith.index_cast %add3A_341 : i32 to index
        %get3A_343 = tpu.vector_load %arg17[%get3A_342] {strides = array<i32>} : memref<2560xf32, #tpu.memory_space<vmem>>, vector<16xf32>,
        %mul3A_344 = arith.mulf %get3A_337, %get3A_343 : vector<16xf32>
        %add3A_345 = arith.addf %scan3A_331, %mul3A_344 : vector<16xf32>
        %scan3A_346 = arith.constant 1 : i32
        %scan3A_347 = arith.addi %scan3A_330, %scan3A_346 : i32
        %mul3A_348 = arith.constant 16 : i32
        %mul3A_349 = arith.muli %scan3A_347, %mul3A_348 : i32
        %get3A_350 = arith.constant 0 : i32
        %get3A_351 = arith.index_cast %get3A_350 : i32 to index
        %get3A_352 = arith.index_cast %mul3A_349 : i32 to index
        %get3A_353 = tpu.vector_load %arg15[%get3A_351, %get3A_352] {strides = array<i32>} : memref<64x1024xf32, #tpu.memory_space<vmem>>, vector<16xf32>,
        %mul3A_354 = arith.constant 16 : i32
        %mul3A_355 = arith.muli %scan3A_347, %mul3A_354 : i32
        %add3A_356 = arith.constant 1280 : i32
        %add3A_357 = arith.addi %add3A_356, %mul3A_355 : i32
        %get3A_358 = arith.index_cast %add3A_357 : i32 to index
        %get3A_359 = tpu.vector_load %arg17[%get3A_358] {strides = array<i32>} : memref<2560xf32, #tpu.memory_space<vmem>>, vector<16xf32>,
        %mul3A_360 = arith.mulf %get3A_353, %get3A_359 : vector<16xf32>
        %add3A_361 = arith.addf %add3A_345, %mul3A_360 : vector<16xf32>
        %scan3A_362 = arith.constant 2 : i32
        %scan3A_363 = arith.addi %scan3A_330, %scan3A_362 : i32
        %mul3A_364 = arith.constant 16 : i32
        %mul3A_365 = arith.muli %scan3A_363, %mul3A_364 : i32
        %get3A_366 = arith.constant 0 : i32
        %get3A_367 = arith.index_cast %get3A_366 : i32 to index
        %get3A_368 = arith.index_cast %mul3A_365 : i32 to index
        %get3A_369 = tpu.vector_load %arg15[%get3A_367, %get3A_368] {strides = array<i32>} : memref<64x1024xf32, #tpu.memory_space<vmem>>, vector<16xf32>,
        %mul3A_370 = arith.constant 16 : i32
        %mul3A_371 = arith.muli %scan3A_363, %mul3A_370 : i32
        %add3A_372 = arith.constant 1280 : i32
        %add3A_373 = arith.addi %add3A_372, %mul3A_371 : i32
        %get3A_374 = arith.index_cast %add3A_373 : i32 to index
        %get3A_375 = tpu.vector_load %arg17[%get3A_374] {strides = array<i32>} : memref<2560xf32, #tpu.memory_space<vmem>>, vector<16xf32>,
        %mul3A_376 = arith.mulf %get3A_369, %get3A_375 : vector<16xf32>
        %add3A_377 = arith.addf %add3A_361, %mul3A_376 : vector<16xf32>
        %scan3A_378 = arith.constant 3 : i32
        %scan3A_379 = arith.addi %scan3A_330, %scan3A_378 : i32
        %mul3A_380 = arith.constant 16 : i32
        %mul3A_381 = arith.muli %scan3A_379, %mul3A_380 : i32
        %get3A_382 = arith.constant 0 : i32
        %get3A_383 = arith.index_cast %get3A_382 : i32 to index
        %get3A_384 = arith.index_cast %mul3A_381 : i32 to index
        %get3A_385 = tpu.vector_load %arg15[%get3A_383, %get3A_384] {strides = array<i32>} : memref<64x1024xf32, #tpu.memory_space<vmem>>, vector<16xf32>,
        %mul3A_386 = arith.constant 16 : i32
        %mul3A_387 = arith.muli %scan3A_379, %mul3A_386 : i32
        %add3A_388 = arith.constant 1280 : i32
        %add3A_389 = arith.addi %add3A_388, %mul3A_387 : i32
        %get3A_390 = arith.index_cast %add3A_389 : i32 to index
        %get3A_391 = tpu.vector_load %arg17[%get3A_390] {strides = array<i32>} : memref<2560xf32, #tpu.memory_space<vmem>>, vector<16xf32>,
        %mul3A_392 = arith.mulf %get3A_385, %get3A_391 : vector<16xf32>
        %add3A_393 = arith.addf %add3A_377, %mul3A_392 : vector<16xf32>
        scf.yield %add3A_393 : vector<16xf32>
      }
      %scan3A_320 = arith.constant 64 : i32
      %scan3A_321 = arith.constant 0 : i32
      %scan3A_322 = arith.constant 16 : i32
      %scan3A_323 = arith.addi %scan3A_321, %scan3A_322 : i32
      %scan3A_324 = arith.constant 4 : i32
      %scan3A_325 = scf.for %scan3A_330 = %scan3A_321 to %scan3A_323 step %scan3A_324 iter_args(%scan3A_331 = %scan3A_319) -> (vector<16xf32>)  : i32 {
        %mul3A_332 = arith.constant 16 : i32
        %mul3A_333 = arith.muli %scan3A_330, %mul3A_332 : i32
        %get3A_334 = arith.constant 0 : i32
        %get3A_335 = arith.index_cast %get3A_334 : i32 to index
        %get3A_336 = arith.index_cast %mul3A_333 : i32 to index
        %get3A_337 = tpu.vector_load %arg16[%get3A_335, %get3A_336] {strides = array<i32>} : memref<64x256xf32, #tpu.memory_space<vmem>>, vector<16xf32>,
        %mul3A_338 = arith.constant 16 : i32
        %mul3A_339 = arith.muli %scan3A_330, %mul3A_338 : i32
        %add3A_340 = arith.constant 2304 : i32
        %add3A_341 = arith.addi %add3A_340, %mul3A_339 : i32
        %get3A_342 = arith.index_cast %add3A_341 : i32 to index
        %get3A_343 = tpu.vector_load %arg17[%get3A_342] {strides = array<i32>} : memref<2560xf32, #tpu.memory_space<vmem>>, vector<16xf32>,
        %mul3A_344 = arith.mulf %get3A_337, %get3A_343 : vector<16xf32>
        %add3A_345 = arith.addf %scan3A_331, %mul3A_344 : vector<16xf32>
        %scan3A_346 = arith.constant 1 : i32
        %scan3A_347 = arith.addi %scan3A_330, %scan3A_346 : i32
        %mul3A_348 = arith.constant 16 : i32
        %mul3A_349 = arith.muli %scan3A_347, %mul3A_348 : i32
        %get3A_350 = arith.constant 0 : i32
        %get3A_351 = arith.index_cast %get3A_350 : i32 to index
        %get3A_352 = arith.index_cast %mul3A_349 : i32 to index
        %get3A_353 = tpu.vector_load %arg16[%get3A_351, %get3A_352] {strides = array<i32>} : memref<64x256xf32, #tpu.memory_space<vmem>>, vector<16xf32>,
        %mul3A_354 = arith.constant 16 : i32
        %mul3A_355 = arith.muli %scan3A_347, %mul3A_354 : i32
        %add3A_356 = arith.constant 2304 : i32
        %add3A_357 = arith.addi %add3A_356, %mul3A_355 : i32
        %get3A_358 = arith.index_cast %add3A_357 : i32 to index
        %get3A_359 = tpu.vector_load %arg17[%get3A_358] {strides = array<i32>} : memref<2560xf32, #tpu.memory_space<vmem>>, vector<16xf32>,
        %mul3A_360 = arith.mulf %get3A_353, %get3A_359 : vector<16xf32>
        %add3A_361 = arith.addf %add3A_345, %mul3A_360 : vector<16xf32>
        %scan3A_362 = arith.constant 2 : i32
        %scan3A_363 = arith.addi %scan3A_330, %scan3A_362 : i32
        %mul3A_364 = arith.constant 16 : i32
        %mul3A_365 = arith.muli %scan3A_363, %mul3A_364 : i32
        %get3A_366 = arith.constant 0 : i32
        %get3A_367 = arith.index_cast %get3A_366 : i32 to index
        %get3A_368 = arith.index_cast %mul3A_365 : i32 to index
        %get3A_369 = tpu.vector_load %arg16[%get3A_367, %get3A_368] {strides = array<i32>} : memref<64x256xf32, #tpu.memory_space<vmem>>, vector<16xf32>,
        %mul3A_370 = arith.constant 16 : i32
        %mul3A_371 = arith.muli %scan3A_363, %mul3A_370 : i32
        %add3A_372 = arith.constant 2304 : i32
        %add3A_373 = arith.addi %add3A_372, %mul3A_371 : i32
        %get3A_374 = arith.index_cast %add3A_373 : i32 to index
        %get3A_375 = tpu.vector_load %arg17[%get3A_374] {strides = array<i32>} : memref<2560xf32, #tpu.memory_space<vmem>>, vector<16xf32>,
        %mul3A_376 = arith.mulf %get3A_369, %get3A_375 : vector<16xf32>
        %add3A_377 = arith.addf %add3A_361, %mul3A_376 : vector<16xf32>
        %scan3A_378 = arith.constant 3 : i32
        %scan3A_379 = arith.addi %scan3A_330, %scan3A_378 : i32
        %mul3A_380 = arith.constant 16 : i32
        %mul3A_381 = arith.muli %scan3A_379, %mul3A_380 : i32
        %get3A_382 = arith.constant 0 : i32
        %get3A_383 = arith.index_cast %get3A_382 : i32 to index
        %get3A_384 = arith.index_cast %mul3A_381 : i32 to index
        %get3A_385 = tpu.vector_load %arg16[%get3A_383, %get3A_384] {strides = array<i32>} : memref<64x256xf32, #tpu.memory_space<vmem>>, vector<16xf32>,
        %mul3A_386 = arith.constant 16 : i32
        %mul3A_387 = arith.muli %scan3A_379, %mul3A_386 : i32
        %add3A_388 = arith.constant 2304 : i32
        %add3A_389 = arith.addi %add3A_388, %mul3A_387 : i32
        %get3A_390 = arith.index_cast %add3A_389 : i32 to index
        %get3A_391 = tpu.vector_load %arg17[%get3A_390] {strides = array<i32>} : memref<2560xf32, #tpu.memory_space<vmem>>, vector<16xf32>,
        %mul3A_392 = arith.mulf %get3A_385, %get3A_391 : vector<16xf32>
        %add3A_393 = arith.addf %add3A_377, %mul3A_392 : vector<16xf32>
        scf.yield %add3A_393 : vector<16xf32>
      }
      %scan3A_326 = arith.constant 16 : i32
      %swap3A = arith.constant 0 : i32
      %swap3A_327 = arith.index_cast %swap3A : i32 to index
      %swap3A_328 = arith.constant 0 : index
      %swap3A_329 = tpu.vector_load %arg19[%swap3A_327, %swap3A_328] {strides = array<i32>} : memref<64x16xf32, #tpu.memory_space<vmem>>, vector<16xf32>,
      tpu.vector_store %arg19[%swap3A_327, %swap3A_328], %scan3A_325 {strides = array<i32>} : memref<64x16xf32, #tpu.memory_space<vmem>>, vector<16xf32>,
    } else {
    }
    %iota3A_306 = tpu.iota {dimensions = array<i32: 0>} : vector<16xi32>
    %scan3A_307 = arith.constant 0 : i32
    %scan3A_308 = arith.constant 0 : i32
    %scan3A_309 = arith.constant 4 : i32
    %scan3A_310 = arith.addi %scan3A_308, %scan3A_309 : i32
    %scan3A_311 = arith.constant 1 : i32
    scf.for %scan3A_313 = %scan3A_308 to %scan3A_310 step %scan3A_311  : i32 {
      %mul3A_314 = arith.constant 16 : i32
      %mul3A_315 = arith.muli %scan3A_313, %mul3A_314 : i32
      %add3A_316 = vector.broadcast %mul3A_315 : i32 to vector<16xi32>
      %add3A_317 = arith.addi %add3A_316, %iota3A_306 : vector<16xi32>
      %scan3A_318 = arith.constant 0 : i32
      %scan3A_319 = arith.constant 16 : i32
      %scan3A_320 = arith.addi %scan3A_318, %scan3A_319 : i32
      %scan3A_321 = arith.constant 4 : i32
      %scan3A_322 = scf.for %scan3A_327 = %scan3A_318 to %scan3A_320 step %scan3A_321 iter_args(%scan3A_328 = %broadcast_in_dim3A_274) -> (vector<16xf32>)  : i32 {
        %broadcast_in_dim3A_329 = vector.broadcast %scan3A_327 : i32 to vector<16xi32>
        %gather3A = tpu.vector_load_idx %arg19[%add3A_317, %broadcast_in_dim3A_329] : memref<64x16xf32, #tpu.memory_space<vmem>>[vector<16xi32>, vector<16xi32>], vector<16xf32>,
        %add3A_330 = arith.addf %scan3A_328, %gather3A : vector<16xf32>
        %scan3A_331 = arith.constant 1 : i32
        %scan3A_332 = arith.addi %scan3A_327, %scan3A_331 : i32
        %broadcast_in_dim3A_333 = vector.broadcast %scan3A_332 : i32 to vector<16xi32>
        %gather3A_334 = tpu.vector_load_idx %arg19[%add3A_317, %broadcast_in_dim3A_333] : memref<64x16xf32, #tpu.memory_space<vmem>>[vector<16xi32>, vector<16xi32>], vector<16xf32>,
        %add3A_335 = arith.addf %add3A_330, %gather3A_334 : vector<16xf32>
        %scan3A_336 = arith.constant 2 : i32
        %scan3A_337 = arith.addi %scan3A_327, %scan3A_336 : i32
        %broadcast_in_dim3A_338 = vector.broadcast %scan3A_337 : i32 to vector<16xi32>
        %gather3A_339 = tpu.vector_load_idx %arg19[%add3A_317, %broadcast_in_dim3A_338] : memref<64x16xf32, #tpu.memory_space<vmem>>[vector<16xi32>, vector<16xi32>], vector<16xf32>,
        %add3A_340 = arith.addf %add3A_335, %gather3A_339 : vector<16xf32>
        %scan3A_341 = arith.constant 3 : i32
        %scan3A_342 = arith.addi %scan3A_327, %scan3A_341 : i32
        %broadcast_in_dim3A_343 = vector.broadcast %scan3A_342 : i32 to vector<16xi32>
        %gather3A_344 = tpu.vector_load_idx %arg19[%add3A_317, %broadcast_in_dim3A_343] : memref<64x16xf32, #tpu.memory_space<vmem>>[vector<16xi32>, vector<16xi32>], vector<16xf32>,
        %add3A_345 = arith.addf %add3A_340, %gather3A_344 : vector<16xf32>
        scf.yield %add3A_345 : vector<16xf32>
      }
      %scan3A_323 = arith.constant 16 : i32
      %mul3A_324 = arith.constant 16 : i32
      %mul3A_325 = arith.muli %scan3A_313, %mul3A_324 : i32
      %swap3A = arith.index_cast %mul3A_325 : i32 to index
      %swap3A_326 = tpu.vector_load %arg20[%swap3A] {strides = array<i32>} : memref<64xf32, #tpu.memory_space<vmem>>, vector<16xf32>,
      tpu.vector_store %arg20[%swap3A], %scan3A_322 {strides = array<i32>} : memref<64xf32, #tpu.memory_space<vmem>>, vector<16xf32>,
    }
    %scan3A_312 = arith.constant 4 : i32
    "tpu.region"() ({
      %run_scoped3A = tpu.sem_alloc : memref<!tpu.dma_semaphore, #tpu.memory_space<semaphore_mem>>
      %dma_start3A_313 = tpu.memref_slice %arg13[%select_n3A, %mul3A_32] : memref<4x512xf32, #tpu.memory_space<hbm>> -> memref<1x64xf32, #tpu.memory_space<hbm>>
      %dma_start3A_314 = tpu.memref_squeeze %dma_start3A_313 : memref<1x64xf32, #tpu.memory_space<hbm>> -> memref<64xf32, #tpu.memory_space<hbm>>
      %dma_start3A_315 = tpu.memref_slice %arg13[%select_n3A, %mul3A_32] : memref<4x512xf32, #tpu.memory_space<hbm>> -> memref<1x64xf32, #tpu.memory_space<hbm>>
      %dma_start3A_316 = tpu.memref_squeeze %dma_start3A_315 : memref<1x64xf32, #tpu.memory_space<hbm>> -> memref<64xf32, #tpu.memory_space<hbm>>
      tpu.enqueue_dma source(%arg20 : memref<64xf32, #tpu.memory_space<vmem>>) target(%dma_start3A_316 : memref<64xf32, #tpu.memory_space<hbm>>) target_semaphore(%run_scoped3A : memref<!tpu.dma_semaphore, #tpu.memory_space<semaphore_mem>>)
      %dma_wait3A_317 = tpu.memref_slice %arg13[%select_n3A, %mul3A_32] : memref<4x512xf32, #tpu.memory_space<hbm>> -> memref<1x64xf32, #tpu.memory_space<hbm>>
      %dma_wait3A_318 = tpu.memref_squeeze %dma_wait3A_317 : memref<1x64xf32, #tpu.memory_space<hbm>> -> memref<64xf32, #tpu.memory_space<hbm>>
      %dma_wait3A_319 = tpu.memref_slice %arg13[%select_n3A, %mul3A_32] : memref<4x512xf32, #tpu.memory_space<hbm>> -> memref<1x64xf32, #tpu.memory_space<hbm>>
      %dma_wait3A_320 = tpu.memref_squeeze %dma_wait3A_319 : memref<1x64xf32, #tpu.memory_space<hbm>> -> memref<64xf32, #tpu.memory_space<hbm>>
      tpu.wait_dma2 semaphore(%run_scoped3A : memref<!tpu.dma_semaphore, #tpu.memory_space<semaphore_mem>>) src(%arg20 : memref<64xf32, #tpu.memory_space<vmem>>) dst(%dma_wait3A_320 : memref<64xf32, #tpu.memory_space<hbm>>)
      tpu.yield
    }) : () -> ()
    return
  }
}

</mosaic_0001>

<sc_bundles>
// kernel: _sc_call.3.cloned.1.call-start
scs
__scs_entry_jumppad:
0x0: {  	(pc) =	sbr.rel $0x88, $3  }
0x1: {  	(tag) =	ssettag $0x0;
	lr =	simm.s32 $0x1  }
0x2: {  	[smem:$0x3F96] =	sst lr;
	_ =	strace $0xD0000000  }
0x3: {  	_ = 	snop  }
0x4: {  	_ = 	snop  }
0x5: {  	_ = 	snop  }
0x6: {  	_ = 	snop  }
0x7: {  	_ = 	snop  }
__scs_overlays_trampoline_lowered:
0x8: {  	[smem:$0x3FA5] =	sst s0  }
0x9: {  	[smem:$0x3FA6] =	sst s1  }
0xa: {  	[smem:$0x3FA7] =	sst s2  }
0xb: {  	[smem:$0x3FA8] =	sst s3  }
0xc: {  	[smem:$0x3FA9] =	sst s4  }
0xd: {  	[smem:$0x3FAA] =	sst s5  }
0xe: {  	[smem:$0x3FAB] =	sst s6  }
0xf: {  	[smem:$0x3FAC] =	sst s7  }
0x10: {  	[smem:$0x3FAD] =	sst s8  }
0x11: {  	[smem:$0x3FAE] =	sst s9;
	s0 =	simm.s32 @!p0 $0x0  }
0x12: {  	s1 =	sld [smem:$0x3F94];
	s0 =	simm.s32 @p0 $0x1  }
0x13: {  	[smem:$0x3FAF] =	sst s0;
	s0 =	simm.s32 @!p1 $0x0  }
0x14: {  	s2 =	sld [smem:$0x3F93];
	s0 =	simm.s32 @p1 $0x1  }
0x15: {  	[smem:$0x3FB0] =	sst s0;
	s0 =	simm.s32 @!p2 $0x0  }
0x16: {  	s3 =	sld [smem:$0x3FDB];
	s0 =	simm.s32 @p2 $0x1  }
0x17: {  	s4 =	simm.s32 $0x1BF5;
	[smem:$0x3FB2] =	sst s0  }
0x18: {  	s0 =	sld [smem:$0x3F95];
	_ =	swait.ge [sflag:s4], $0x0  }
0x19: {  	s7 =	sld [smem:$0x3F96]  }
0x1a: {  	s8 =	sadd.s32 $0xFFFFE003, lr  }
0x1b: {  	s9 =	sadd.s32 $0xFFFFFEF7, lr;
	s5 =	simm.s32 $0xFFFFFFFF;
	p2 =	slt.u32 s8, $0xFFFFF086  }
0x1c: {  	p1 =	slt.u32 s9, $0xF7A;
	s5 =	simm.s32 @!p2 $0x0  }
0x1d: {  	s5 =	simm.s32 @p1 $0x1;
	p0 =	seq.s32 s7, s2  }
0x1e: {  	s7 =	smul.u32 @!p0 $0xF7A, s2;
	p2 =	seq.s32 @!p0 s5, $0x0  }
0x1f: {  	s9 =	smul.u32 $0xF7A, s1;
	s8 =	simm.s32 @!p0 $0x1BF5;
	p2 =	por !p2, p0  }
0x20: {  	[sflag:s8] =	ssyncset.s32 @!p0 $0xFFFFF086;
	s6 =	sadd.s32 @!p0 s3, s7;
	s7 =	simm.s32 @!p0 $0x108  }
0x21: {  	s3 =	sadd.s32 s3, s9;
	s6 =	sadd.s32 @!p0 $0x88, s6;
	s7 =	simm.s32 @p2 $0x1082  }
0x22: {  	[simem:s7], [sflag:s8] =	dma.local @!p0 [hbm:s6], $0xF7A  }
0x23: {  	s9 =	sor.u32 $0xD0000000, s2;
	s6 =	simm.s32 $0x108;
	_ =	swait.ge @!p0 [sflag:s8], $0x0  }
0x24: {  	s3 =	sadd.s32 $0x88, s3;
	s6 =	simm.s32 @!p1 $0x1082;
	[sflag:s4] =	ssyncset.s32 $0xFFFFF086  }
0x25: {  	[simem:s6], [sflag:s4] =	dma.local [hbm:s3], $0xF7A  }
0x26: {  	[smem:$0x3F96] =	sst s1;
	(tag) =	ssettag s2;
	_ =	strace s9  }
0x27: {  	s1 =	sld [smem:$0x3FA6]  }
0x28: {  	s2 =	sld [smem:$0x3FA7]  }
0x29: {  	s4 =	sld [smem:$0x3FA9]  }
0x2a: {  	p0 =	seq.s32 s5, $0x0;
	s5 =	sld [smem:$0x3FAA]  }
0x2b: {  	s6 =	sld [smem:$0x3FAB]  }
0x2c: {  	s7 =	sld [smem:$0x3FAC]  }
0x2d: {  	s3 =	simm.s32 $0x108;
	s8 =	sld [smem:$0x3FAD]  }
0x2e: {  	s3 =	simm.s32 @!p0 $0x1082;
	s9 =	sld [smem:$0x3FAE]  }
0x2f: {  	lr =	sadd.s32 s0, s3;
	s0 =	sld [smem:$0x3FA5]  }
0x30: {  	s3 =	sld [smem:$0x3FA8]  }
0x31: {  	[smem:$0x3FB1] =	sst s10  }
0x32: {  	s10 =	sld [smem:$0x3FAF];
	_ =	sdelay $0x3  }
0x33: {  	p0 =	seq.s32 s10, $0x1;
	s10 =	sld [smem:$0x3FB1];
	_ =	sdelay $0x3  }
0x34: {  	[smem:$0x3FB1] =	sst s10  }
0x35: {  	s10 =	sld [smem:$0x3FB0];
	_ =	sdelay $0x3  }
0x36: {  	p1 =	seq.s32 s10, $0x1;
	s10 =	sld [smem:$0x3FB1];
	_ =	sdelay $0x3  }
0x37: {  	[smem:$0x3FB1] =	sst s10  }
0x38: {  	s10 =	sld [smem:$0x3FB2]  }
0x39: {  	_ = 	snop;
	(pc) =	sbr.ind lr, $3  }
0x3a: {  	_ = 	snop  }
0x3b: {  	_ = 	snop  }
0x3c: {  	p2 =	seq.s32 s10, $0x1;
	s10 =	sld [smem:$0x3FB1]  }
0x3d: {  	_ =	shalt  }
0x3e: {  	_ =	shalt  }
0x3f: {  	_ =	shalt  }
0x40: {  	_ =	shalt  }
0x41: {  	_ =	shalt  }
0x42: {  	_ =	shalt  }
0x43: {  	_ =	shalt  }
0x44: {  	_ =	shalt  }
0x45: {  	_ =	shalt  }
0x46: {  	_ =	shalt  }
0x47: {  	_ =	shalt  }
0x48: {  	_ =	shalt  }
0x49: {  	_ =	shalt  }
0x4a: {  	_ =	shalt  }
0x4b: {  	_ =	shalt  }
0x4c: {  	_ =	shalt  }
0x4d: {  	_ =	shalt  }
0x4e: {  	_ =	shalt  }
0x4f: {  	_ =	shalt  }
0x50: {  	_ =	shalt  }
0x51: {  	_ =	shalt  }
0x52: {  	_ =	shalt  }
0x53: {  	_ =	shalt  }
0x54: {  	_ =	shalt  }
0x55: {  	_ =	shalt  }
0x56: {  	_ =	shalt  }
0x57: {  	_ =	shalt  }
0x58: {  	_ =	shalt  }
0x59: {  	_ =	shalt  }
0x5a: {  	_ =	shalt  }
0x5b: {  	_ =	shalt  }
0x5c: {  	_ =	shalt  }
0x5d: {  	_ =	shalt  }
0x5e: {  	_ =	shalt  }
0x5f: {  	_ =	shalt  }
0x60: {  	_ =	shalt  }
0x61: {  	_ =	shalt  }
0x62: {  	_ =	shalt  }
0x63: {  	_ =	shalt  }
0x64: {  	_ =	shalt  }
0x65: {  	_ =	shalt  }
0x66: {  	_ =	shalt  }
0x67: {  	_ =	shalt  }
0x68: {  	_ =	shalt  }
0x69: {  	_ =	shalt  }
0x6a: {  	_ =	shalt  }
0x6b: {  	_ =	shalt  }
0x6c: {  	_ =	shalt  }
0x6d: {  	_ =	shalt  }
0x6e: {  	_ =	shalt  }
0x6f: {  	_ =	shalt  }
0x70: {  	_ =	shalt  }
0x71: {  	_ =	shalt  }
0x72: {  	_ =	shalt  }
0x73: {  	_ =	shalt  }
0x74: {  	_ =	shalt  }
0x75: {  	_ =	shalt  }
0x76: {  	_ =	shalt  }
0x77: {  	_ =	shalt  }
0x78: {  	_ =	shalt  }
0x79: {  	_ =	shalt  }
0x7a: {  	_ =	shalt  }
0x7b: {  	_ =	shalt  }
0x7c: {  	_ =	shalt  }
0x7d: {  	_ =	shalt  }
0x7e: {  	_ =	shalt  }
0x7f: {  	_ =	shalt  }
0x80: {  	_ =	shalt  }
0x81: {  	_ =	shalt  }
0x82: {  	_ =	shalt  }
0x83: {  	_ =	shalt  }
0x84: {  	_ =	shalt  }
0x85: {  	_ =	shalt  }
0x86: {  	_ =	shalt  }
0x87: {  	_ =	shalt  }
.Lfunc_end0:
.L_simem_size_0:
called_computation_lowered:
.L_overlay_start_0:
0x88: {  	s2 =	sld [smem:$0x3FD9]  }
0x89: {  	s3 =	sld [smem:$0x3FFE];
	_ =	sdelay $0x1  }
0x8a: {  	s1 =	srdreg.scid  }
0x8b: {  	s0 =	sand.u32 $0x1, s1  }
0x8c: {  	s18 =	sshll.u32 s0, $0xA;
	s2 =	sadd.s32 s3, s2  }
0x8d: {  	s2 =	sadd.s32 s2, s18  }
0x8e: {  	[smem:$0x3FBD] =	sst s2  }
0x8f: {  	_ = 	snop  }
0x90: {  	s2 =	sld [smem:$0x3FC9]  }
0x91: {  	s19 =	sld [smem:$0x3FC8]  }
0x92: {  	s4 =	sld [smem:$0x3FC7]  }
0x93: {  	s5 =	sld [smem:$0x3FC6]  }
0x94: {  	s6 =	sld [smem:$0x3FC5]  }
0x95: {  	s7 =	sld [smem:$0x3FC4]  }
0x96: {  	s8 =	sld [smem:$0x3FC3]  }
0x97: {  	s9 =	sld [smem:$0x3FC2]  }
0x98: {  	s10 =	sld [smem:$0x3FC1]  }
0x99: {  	s11 =	sld [smem:$0x3FC0]  }
0x9a: {  	s12 =	sld [smem:$0x3FBF]  }
0x9b: {  	s13 =	sld [smem:$0x3FD0];
	(tm) =	ssettm $0x1  }
0x9c: {  	s14 =	sld [smem:$0x3FFB];
	_ =	sdelay $0x3  }
0x9d: {  	_ =	strace s14  }
0x9e: {  	s14 =	sld [smem:$0x3FFC];
	_ =	sdelay $0x3  }
0x9f: {  	_ =	strace s14  }
0xa0: {  	s14 =	sld [smem:$0x3FFD];
	_ =	sdelay $0x3  }
0xa1: {  	_ =	strace s14  }
0xa2: {  	_ =	strace $0x8FFFFFFF  }
0xa3: {  	s20 =	sld [smem:$0x3FDB];
	_ =	sdelay $0x1  }
0xa4: {  	s15 =	simm.s32 $_scs_section_size  }
0xa5: {  	s16 =	simm.s32 $_size__tile_overlayer_lowered;
	s17 =	simm.s32 $_tile_overlayer_lowered  }
0xa6: {  	s23 =	simm.s32 $0x1BFF;
	s22 =	sshll.u32 s17, $0x1;
	s14 =	sadd.s32 s15, s20  }
0xa7: {  	s21 =	sshll.u32 s16, $0x1;
	s18 =	simm.s32 $0x0;
	s16 =	sadd.s32 s22, s14  }
0xa8: {  	[timem:s18], [sflag:s23] =	dma.local [hbm:s16], s21  }
0xa9: {  	_ =	swait.ge [sflag:s23], s21  }
0xaa: {  	s15 =	ssub.s32 $0x0, s21;
	[sflag:s23] =	ssyncset.done $0x0  }
0xab: {  	[sflag:s23] =	ssyncadd.s32 s15;
	_ =	sdelay $0x1  }
0xac: {  	s24 =	simm.s32 $0x1B8B  }
0xad: {  	_ =	swait.ge [sflag:s24], $0x1  }
0xae: {  	[sflag:s24] =	ssyncset.done $0x0  }
0xaf: {  	s25 =	simm.s32 $0x1B8E;
	[sflag:s24] =	ssyncadd.s32 $0xFFFFFFFF  }
0xb0: {  	s26 =	simm.s32 $execute0_lowered;
	[smem:$0x3FD2] =	sst s25  }
0xb1: {  	s15 =	sshll.u32 s26, $0x1;
	_ =	strace $0x80000046;
	[dreg:$0x1] =	wrdreg $0xFFFFFFFF  }
0xb2: {  	s28 =	simm.s32 $_size_execute0_lowered;
	s14 =	sadd.s32 s14, s15;
	[dreg:$0x0] =	wrdreg $0x0  }
0xb3: {  	s15 =	sshll.u32 s28, $0x1;
	[dreg:$0x2] =	wrdreg s14  }
0xb4: {  	[dreg:$0x3] =	wrdreg s15  }
0xb5: {  	[dreg:$0x4] =	wrdreg $0xC0  }
0xb6: {  	_ =	task [dreg:s18], $0x5FFFF  }
0xb7: {  	[dreg:$0x1] =	wrdreg $0xFFFFFFFF  }
0xb8: {  	[dreg:$0x0] =	wrdreg $0x60  }
0xb9: {  	[dreg:$0x2] =	wrdreg s2  }
0xba: {  	[dreg:$0x3] =	wrdreg s19  }
0xbb: {  	[dreg:$0x4] =	wrdreg s4  }
0xbc: {  	[dreg:$0x5] =	wrdreg s5  }
0xbd: {  	[dreg:$0x6] =	wrdreg s6  }
0xbe: {  	[dreg:$0x7] =	wrdreg s7  }
0xbf: {  	[dreg:$0x8] =	wrdreg s8  }
0xc0: {  	[dreg:$0x9] =	wrdreg s9  }
0xc1: {  	[dreg:$0xa] =	wrdreg s10  }
0xc2: {  	[dreg:$0xb] =	wrdreg s11  }
0xc3: {  	[dreg:$0xc] =	wrdreg s12  }
0xc4: {  	[dreg:$0xd] =	wrdreg s13  }
0xc5: {  	[dreg:$0xe] =	wrdreg $0x9  }
0xc6: {  	_ =	task.clear_ibuf [dreg:s18], $0xFFFFF;
	_ =	strace $0x90000046  }
0xc7: {  	s29 =	simm.s32 $0x9;
	_ =	strace $0x80000048  }
0xc8: {  	_ =	swait.ge [sflag:s29], $0x1  }
0xc9: {  	[sflag:s29] =	ssyncadd.s32 $0xFFFFFFFF  }
0xca: {  	_ =	strace $0x90000048  }
0xcb: {  	_ =	sfence  }
0xcc: {  	s30 =	sld [smem:$0x0];
	_ =	sdelay $0x2  }
0xcd: {  	s31 =	sshll.u32 s1, $0xD;
	s1 =	sshrl.u32 s1, $0x2  }
0xce: {  	s3 =	sand.u32 $0x4000, s31;
	s1 =	sadd.s32 s1, s30  }
0xcf: {  	s0 =	sor.u32 s3, s0;
	s1 =	sshll.u32 s1, $0x11  }
0xd0: {  	s0 =	sor.u32 s1, s0  }
0xd1: {  	s0 =	sadd.s32 $0x8F2B, s0  }
0xd2: {  	[sflag:s0] =	ssyncadd.remote.s32 $0x1  }
0xd3: {  	_ =	sfence.sel $0xFFFF  }
0xd4: {  	[dreg:$0x0] =	wrdreg $0xFFFFFFFF;
	(pc) =	sbr.abs _section_cstart, $3  }
0xd5: {  	[dreg:$0x1] =	wrdreg $0xFFFFFFFF  }
0xd6: {  	_ =	task.clear_ibuf [dreg:s18], $0x2FFFF;
	_ =	strace $0x9FFFFFFF  }
0xd7: {  	(tm) =	ssettm $0x7FFFFFFF  }
tec
execute0_lowered:
.L_overlay_start_1:
0x0: {  	(tag) =	ssettag $0x1  }
0x1: {  	s0 =	rddreg [dreg:$0x0]  }
0x2: {  	s1 =	rddreg [dreg:$0x1]  }
0x3: {  	s2 =	rddreg [dreg:$0x2]  }
0x4: {  	s3 =	rddreg [dreg:$0xb];
	s4 =	srdreg.scid  }
0x5: {  	s9 =	simm.s32 $0x0;
	s8 =	stileid.u32;
	s16 =	simm.s32 $0xA  }
0x6: {  	s19 =	simm.s32 $0x14980;
	s21 =	simm.s32 $0x14A80;
	s23 =	simm.s32 $0x14A90  }
0x7: {  	s24 =	simm.s32 $0x14AA0;
	s28 =	simm.s32 $0x14B00;
	s29 =	simm.s32 $0x16B00  }
0x8: {  	s30 =	simm.s32 $0x0;
	s4 =	sand.u32 $0x1, s4;
	[smem:$0x7FF] =	sst s9  }
0x9: {  	s25 =	sshrl.u32 s8, $0x2;
	s7 =	sshll.u32 s8, $0x6;
	s8 =	sshll.u32 s8, $0x1  }
0xa: {  	s5 =	ssub.s32 $0x2, s4;
	_ =	strace $0x80000047;
	s7 =	sand.u32 $0xC0, s7  }
0xb: {  	s10 =	sshll.u32 s25, $0x4;
	s8 =	sand.u32 $0x6, s8;
	s11 =	sshll.u32 s4, $0x3  }
0xc: {  	s26 =	sshll.u32 s25, $0x13;
	s31 =	sshll.u32 s25, $0x11;
	s25 =	simm.s32 $0x14AB0  }
0xd: {  	s6 =	sshrl.u32 s5, $0x1;
	s7 =	sor.u32 s10, s7;
	s4 =	sor.u32 s4, s8  }
0xe: {  	s12 =	sadd.s32 s0, s26;
	s13 =	sadd.s32 s1, s31;
	s26 =	simm.s32 $0x9  }
0xf: {  	v0 =	vlaneseq.u32;
	s5 =	ssub.s32 s5, s6;
	s7 =	sor.u32 s11, s7;
	s18 =	sadd.s32 $0x100, s12  }
0x10: {  	vm0 =	vmmov $0xffff;
	vm1 =	vcmask $0x300;
	v2 =	vshrl.u32 v0, $0x3;
	s20 =	sadd.s32 $0x200, s12;
	s22 =	sadd.s32 $0x300, s12;
	p0 =	sne.s32 s4, $0x0  }
0x11: {  	v1 =	vand.u32 $0x7, v0;
	v3 =	vor.u32 $0x8, v0;
	v2 =	vmul.u32 $0x8, v2;
	s11 =	sadd.s32 s2, s7;
	s14 =	sadd.s32 s3, s7;
	s15 =	smax.u32 s5, $0x1  }
.LBB2_1:
0x12: {  	[tilespmem:s9], [sflag:$0xA] =	stream.linear.gather [hbm4b:s11+s9], $0x40, $0x38;
	[tilespmem:$0x16B80] =	vst v63  }
0x13: {  	_ =	swait.ge [sflag:s16], $0x40  }
0x14: {  	[sflag:s16] =	ssyncset.done $0x0  }
0x15: {  	[sflag:s16] =	ssyncadd.s32 $0xFFFFFFC0  }
0x16: {  	v4 =	vld [tilespmem:$0x0];
	_ =	sdelay $0x4  }
0x17: {  	v5 =	vshll.u32 v4, $0x3  }
0x18: {  	v4 =	vand.u32 $0x7, v4;
	v5 =	vand.u32 $0xFFFFFFC0, v5  }
0x19: {  	v4 =	vor.u32 v4, v5  }
0x1a: {  	v5 =	vperm.xlane v4, v1;
	_ =	sdelay $0x1  }
0x1b: {  	v5 =	vadd.s32 v2, v5;
	_ =	sdelay $0x3  }
0x1c: {  	s0 =	simm.s32 $0x80  }
0x1d: {  	[tilespmem:s0], [sflag:$0x1] =	stream.indirect_vreg.gather [hbm4b:s12+s9], $0x80, v5, vm0, $0xb8;
	[tilespmem:$0x16B80] =	vst v63  }
0x1e: {  	s7 =	simm.s32 $0x880;
	v4 =	vperm.xlane v4, v3  }
0x1f: {  	[tilespmem:s7], [sflag:$0x1] =	stream.indirect_vreg.gather [hbm4b:s18+s9], $0x80, v5, vm0, $0xb8;
	[tilespmem:$0x16B80] =	vst v63  }
0x20: {  	s8 =	simm.s32 $0x1080;
	v4 =	vadd.s32 v2, v4  }
0x21: {  	[tilespmem:s8], [sflag:$0x1] =	stream.indirect_vreg.gather [hbm4b:s20+s9], $0x80, v5, vm0, $0xb8;
	[tilespmem:$0x16B80] =	vst v63  }
0x22: {  	s10 =	simm.s32 $0x1880  }
0x23: {  	[tilespmem:s10], [sflag:$0x1] =	stream.indirect_vreg.gather [hbm4b:s22+s9], $0x80, v5, vm0, $0xb8;
	[tilespmem:$0x16B80] =	vst v63  }
0x24: {  	s17 =	simm.s32 $0x2080  }
0x25: {  	[tilespmem:s17], [sflag:$0x1] =	stream.indirect_vreg.gather [hbm4b:s12+s9], $0x80, v4, vm0, $0xb8;
	[tilespmem:$0x16B80] =	vst v63  }
0x26: {  	s1 =	simm.s32 $0x2880  }
0x27: {  	[tilespmem:s1], [sflag:$0x1] =	stream.indirect_vreg.gather [hbm4b:s18+s9], $0x80, v4, vm0, $0xb8;
	[tilespmem:$0x16B80] =	vst v63  }
0x28: {  	s2 =	simm.s32 $0x3080  }
0x29: {  	[tilespmem:s2], [sflag:$0x1] =	stream.indirect_vreg.gather [hbm4b:s20+s9], $0x80, v4, vm0, $0xb8;
	[tilespmem:$0x16B80] =	vst v63  }
0x2a: {  	s3 =	simm.s32 $0x3880  }
0x2b: {  	[tilespmem:s3], [sflag:$0x1] =	stream.indirect_vreg.gather [hbm4b:s22+s9], $0x80, v4, vm0, $0xb8;
	[tilespmem:$0x16B80] =	vst v63  }
0x2c: {  	v4 =	vld [tilespmem:$0x0];
	_ =	sdelay $0x4  }
0x2d: {  	v5 =	vshll.u32 v4, $0x1  }
0x2e: {  	v4 =	vand.u32 $0x7, v4;
	v5 =	vand.u32 $0xFFFFFFF0, v5  }
0x2f: {  	v4 =	vor.u32 v4, v5  }
0x30: {  	v5 =	vperm.xlane v4, v1;
	_ =	sdelay $0x1  }
0x31: {  	v4 =	vperm.xlane v4, v3;
	v5 =	vadd.s32 v2, v5;
	_ =	sdelay $0x1  }
0x32: {  	v4 =	vadd.s32 v2, v4;
	_ =	sdelay $0x1  }
0x33: {  	s4 =	simm.s32 $0x10080  }
0x34: {  	[tilespmem:s4], [sflag:$0x2] =	stream.indirect_vreg.gather [hbm4b:s13+s9], $0x80, v5, vm0, $0xb8;
	[tilespmem:$0x16B80] =	vst v63  }
0x35: {  	s5 =	simm.s32 $0x10880  }
0x36: {  	[tilespmem:s5], [sflag:$0x2] =	stream.indirect_vreg.gather [hbm4b:s13+s9], $0x80, v4, vm0, $0xb8;
	[tilespmem:$0x16B80] =	vst v63  }
0x37: {  	v4 =	vld [tilespmem:$0x10];
	_ =	sdelay $0x4  }
0x38: {  	v5 =	vshll.u32 v4, $0x3  }
0x39: {  	v4 =	vand.u32 $0x7, v4;
	v5 =	vand.u32 $0xFFFFFFC0, v5  }
0x3a: {  	v4 =	vor.u32 v4, v5  }
0x3b: {  	v5 =	vperm.xlane v4, v1;
	_ =	sdelay $0x1  }
0x3c: {  	v5 =	vadd.s32 v2, v5;
	_ =	sdelay $0x3  }
0x3d: {  	s6 =	simm.s32 $0x4080  }
0x3e: {  	[tilespmem:s6], [sflag:$0x3] =	stream.indirect_vreg.gather [hbm4b:s12+s9], $0x80, v5, vm0, $0xb8;
	[tilespmem:$0x16B80] =	vst v63  }
0x3f: {  	s7 =	simm.s32 $0x4880;
	v4 =	vperm.xlane v4, v3  }
0x40: {  	[tilespmem:s7], [sflag:$0x3] =	stream.indirect_vreg.gather [hbm4b:s18+s9], $0x80, v5, vm0, $0xb8;
	[tilespmem:$0x16B80] =	vst v63  }
0x41: {  	s8 =	simm.s32 $0x5080;
	v4 =	vadd.s32 v2, v4  }
0x42: {  	[tilespmem:s8], [sflag:$0x3] =	stream.indirect_vreg.gather [hbm4b:s20+s9], $0x80, v5, vm0, $0xb8;
	[tilespmem:$0x16B80] =	vst v63  }
0x43: {  	s10 =	simm.s32 $0x5880  }
0x44: {  	[tilespmem:s10], [sflag:$0x3] =	stream.indirect_vreg.gather [hbm4b:s22+s9], $0x80, v5, vm0, $0xb8;
	[tilespmem:$0x16B80] =	vst v63  }
0x45: {  	s17 =	simm.s32 $0x6080  }
0x46: {  	[tilespmem:s17], [sflag:$0x3] =	stream.indirect_vreg.gather [hbm4b:s12+s9], $0x80, v4, vm0, $0xb8;
	[tilespmem:$0x16B80] =	vst v63  }
0x47: {  	s1 =	simm.s32 $0x6880  }
0x48: {  	[tilespmem:s1], [sflag:$0x3] =	stream.indirect_vreg.gather [hbm4b:s18+s9], $0x80, v4, vm0, $0xb8;
	[tilespmem:$0x16B80] =	vst v63  }
0x49: {  	s2 =	simm.s32 $0x7080  }
0x4a: {  	[tilespmem:s2], [sflag:$0x3] =	stream.indirect_vreg.gather [hbm4b:s20+s9], $0x80, v4, vm0, $0xb8;
	[tilespmem:$0x16B80] =	vst v63  }
0x4b: {  	s3 =	simm.s32 $0x7880  }
0x4c: {  	[tilespmem:s3], [sflag:$0x3] =	stream.indirect_vreg.gather [hbm4b:s22+s9], $0x80, v4, vm0, $0xb8;
	[tilespmem:$0x16B80] =	vst v63  }
0x4d: {  	v4 =	vld [tilespmem:$0x10];
	_ =	sdelay $0x4  }
0x4e: {  	v5 =	vshll.u32 v4, $0x1  }
0x4f: {  	v4 =	vand.u32 $0x7, v4;
	v5 =	vand.u32 $0xFFFFFFF0, v5  }
0x50: {  	v4 =	vor.u32 v4, v5  }
0x51: {  	v5 =	vperm.xlane v4, v1;
	_ =	sdelay $0x1  }
0x52: {  	v4 =	vperm.xlane v4, v3;
	v5 =	vadd.s32 v2, v5;
	_ =	sdelay $0x1  }
0x53: {  	v4 =	vadd.s32 v2, v4;
	_ =	sdelay $0x1  }
0x54: {  	s4 =	simm.s32 $0x11080  }
0x55: {  	[tilespmem:s4], [sflag:$0x4] =	stream.indirect_vreg.gather [hbm4b:s13+s9], $0x80, v5, vm0, $0xb8;
	[tilespmem:$0x16B80] =	vst v63  }
0x56: {  	s5 =	simm.s32 $0x11880  }
0x57: {  	[tilespmem:s5], [sflag:$0x4] =	stream.indirect_vreg.gather [hbm4b:s13+s9], $0x80, v4, vm0, $0xb8;
	[tilespmem:$0x16B80] =	vst v63  }
0x58: {  	v4 =	vld [tilespmem:$0x20];
	_ =	sdelay $0x4  }
0x59: {  	v5 =	vshll.u32 v4, $0x3  }
0x5a: {  	v4 =	vand.u32 $0x7, v4;
	v5 =	vand.u32 $0xFFFFFFC0, v5  }
0x5b: {  	v4 =	vor.u32 v4, v5  }
0x5c: {  	v5 =	vperm.xlane v4, v1;
	_ =	sdelay $0x1  }
0x5d: {  	v5 =	vadd.s32 v2, v5;
	_ =	sdelay $0x3  }
0x5e: {  	s6 =	simm.s32 $0x8080  }
0x5f: {  	[tilespmem:s6], [sflag:$0x5] =	stream.indirect_vreg.gather [hbm4b:s12+s9], $0x80, v5, vm0, $0xb8;
	[tilespmem:$0x16B80] =	vst v63  }
0x60: {  	s7 =	simm.s32 $0x8880;
	v4 =	vperm.xlane v4, v3  }
0x61: {  	[tilespmem:s7], [sflag:$0x5] =	stream.indirect_vreg.gather [hbm4b:s18+s9], $0x80, v5, vm0, $0xb8;
	[tilespmem:$0x16B80] =	vst v63  }
0x62: {  	s8 =	simm.s32 $0x9080;
	v4 =	vadd.s32 v2, v4  }
0x63: {  	[tilespmem:s8], [sflag:$0x5] =	stream.indirect_vreg.gather [hbm4b:s20+s9], $0x80, v5, vm0, $0xb8;
	[tilespmem:$0x16B80] =	vst v63  }
0x64: {  	s10 =	simm.s32 $0x9880  }
0x65: {  	[tilespmem:s10], [sflag:$0x5] =	stream.indirect_vreg.gather [hbm4b:s22+s9], $0x80, v5, vm0, $0xb8;
	[tilespmem:$0x16B80] =	vst v63  }
0x66: {  	s17 =	simm.s32 $0xA080  }
0x67: {  	[tilespmem:s17], [sflag:$0x5] =	stream.indirect_vreg.gather [hbm4b:s12+s9], $0x80, v4, vm0, $0xb8;
	[tilespmem:$0x16B80] =	vst v63  }
0x68: {  	s1 =	simm.s32 $0xA880  }
0x69: {  	[tilespmem:s1], [sflag:$0x5] =	stream.indirect_vreg.gather [hbm4b:s18+s9], $0x80, v4, vm0, $0xb8;
	[tilespmem:$0x16B80] =	vst v63  }
0x6a: {  	s2 =	simm.s32 $0xB080  }
0x6b: {  	[tilespmem:s2], [sflag:$0x5] =	stream.indirect_vreg.gather [hbm4b:s20+s9], $0x80, v4, vm0, $0xb8;
	[tilespmem:$0x16B80] =	vst v63  }
0x6c: {  	s3 =	simm.s32 $0xB880  }
0x6d: {  	[tilespmem:s3], [sflag:$0x5] =	stream.indirect_vreg.gather [hbm4b:s22+s9], $0x80, v4, vm0, $0xb8;
	[tilespmem:$0x16B80] =	vst v63  }
0x6e: {  	v4 =	vld [tilespmem:$0x20];
	_ =	sdelay $0x4  }
0x6f: {  	v5 =	vshll.u32 v4, $0x1  }
0x70: {  	v4 =	vand.u32 $0x7, v4;
	v5 =	vand.u32 $0xFFFFFFF0, v5  }
0x71: {  	v4 =	vor.u32 v4, v5  }
0x72: {  	v5 =	vperm.xlane v4, v1;
	_ =	sdelay $0x1  }
0x73: {  	v4 =	vperm.xlane v4, v3;
	v5 =	vadd.s32 v2, v5;
	_ =	sdelay $0x1  }
0x74: {  	v4 =	vadd.s32 v2, v4;
	_ =	sdelay $0x1  }
0x75: {  	s4 =	simm.s32 $0x12080  }
0x76: {  	[tilespmem:s4], [sflag:$0x6] =	stream.indirect_vreg.gather [hbm4b:s13+s9], $0x80, v5, vm0, $0xb8;
	[tilespmem:$0x16B80] =	vst v63  }
0x77: {  	s5 =	simm.s32 $0x12880  }
0x78: {  	[tilespmem:s5], [sflag:$0x6] =	stream.indirect_vreg.gather [hbm4b:s13+s9], $0x80, v4, vm0, $0xb8;
	[tilespmem:$0x16B80] =	vst v63  }
0x79: {  	v4 =	vld [tilespmem:$0x30];
	_ =	sdelay $0x4  }
0x7a: {  	v5 =	vshll.u32 v4, $0x3  }
0x7b: {  	v4 =	vand.u32 $0x7, v4;
	v5 =	vand.u32 $0xFFFFFFC0, v5  }
0x7c: {  	v4 =	vor.u32 v4, v5  }
0x7d: {  	v5 =	vperm.xlane v4, v1;
	_ =	sdelay $0x1  }
0x7e: {  	v5 =	vadd.s32 v2, v5;
	_ =	sdelay $0x3  }
0x7f: {  	s6 =	simm.s32 $0xC080  }
0x80: {  	[tilespmem:s6], [sflag:$0x7] =	stream.indirect_vreg.gather [hbm4b:s12+s9], $0x80, v5, vm0, $0xb8;
	[tilespmem:$0x16B80] =	vst v63  }
0x81: {  	s7 =	simm.s32 $0xC880;
	v4 =	vperm.xlane v4, v3  }
0x82: {  	[tilespmem:s7], [sflag:$0x7] =	stream.indirect_vreg.gather [hbm4b:s18+s9], $0x80, v5, vm0, $0xb8;
	[tilespmem:$0x16B80] =	vst v63  }
0x83: {  	s8 =	simm.s32 $0xD080;
	v4 =	vadd.s32 v2, v4  }
0x84: {  	[tilespmem:s8], [sflag:$0x7] =	stream.indirect_vreg.gather [hbm4b:s20+s9], $0x80, v5, vm0, $0xb8;
	[tilespmem:$0x16B80] =	vst v63  }
0x85: {  	s10 =	simm.s32 $0xD880  }
0x86: {  	[tilespmem:s10], [sflag:$0x7] =	stream.indirect_vreg.gather [hbm4b:s22+s9], $0x80, v5, vm0, $0xb8;
	[tilespmem:$0x16B80] =	vst v63  }
0x87: {  	s17 =	simm.s32 $0xE080  }
0x88: {  	[tilespmem:s17], [sflag:$0x7] =	stream.indirect_vreg.gather [hbm4b:s12+s9], $0x80, v4, vm0, $0xb8;
	[tilespmem:$0x16B80] =	vst v63  }
0x89: {  	s1 =	simm.s32 $0xE880  }
0x8a: {  	[tilespmem:s1], [sflag:$0x7] =	stream.indirect_vreg.gather [hbm4b:s18+s9], $0x80, v4, vm0, $0xb8;
	[tilespmem:$0x16B80] =	vst v63  }
0x8b: {  	s2 =	simm.s32 $0xF080  }
0x8c: {  	[tilespmem:s2], [sflag:$0x7] =	stream.indirect_vreg.gather [hbm4b:s20+s9], $0x80, v4, vm0, $0xb8;
	[tilespmem:$0x16B80] =	vst v63  }
0x8d: {  	s3 =	simm.s32 $0xF880  }
0x8e: {  	[tilespmem:s3], [sflag:$0x7] =	stream.indirect_vreg.gather [hbm4b:s22+s9], $0x80, v4, vm0, $0xb8;
	[tilespmem:$0x16B80] =	vst v63  }
0x8f: {  	v4 =	vld [tilespmem:$0x30];
	_ =	sdelay $0x4  }
0x90: {  	v5 =	vshll.u32 v4, $0x1  }
0x91: {  	v4 =	vand.u32 $0x7, v4;
	v5 =	vand.u32 $0xFFFFFFF0, v5  }
0x92: {  	v4 =	vor.u32 v4, v5  }
0x93: {  	v5 =	vperm.xlane v4, v1;
	_ =	sdelay $0x1  }
0x94: {  	v4 =	vperm.xlane v4, v3;
	v5 =	vadd.s32 v2, v5;
	_ =	sdelay $0x1  }
0x95: {  	v4 =	vadd.s32 v2, v4;
	_ =	sdelay $0x1  }
0x96: {  	s4 =	simm.s32 $0x13080  }
0x97: {  	[tilespmem:s4], [sflag:$0x8] =	stream.indirect_vreg.gather [hbm4b:s13+s9], $0x80, v5, vm0, $0xb8;
	[tilespmem:$0x16B80] =	vst v63  }
0x98: {  	s5 =	simm.s32 $0x13880  }
0x99: {  	[tilespmem:s5], [sflag:$0x8] =	stream.indirect_vreg.gather [hbm4b:s13+s9], $0x80, v4, vm0, $0xb8;
	[tilespmem:$0x16B80] =	vst v63  }
0x9a: {  	s6 =	rddreg [dreg:$0x3];
	s1 =	simm.s32 $0x14080  }
0x9b: {  	[tilespmem:s1], [sflag:$0x9] =	stream.linear.gather [hbm4b:s6+s9], $0x400, $0x38;
	[tilespmem:$0x16B80] =	vst v63  }
0x9c: {  	s7 =	rddreg [dreg:$0x4];
	s8 =	simm.s32 $0x14480  }
0x9d: {  	[tilespmem:s8], [sflag:$0x9] =	stream.linear.gather [hbm4b:s7+s9], $0x100, $0x38;
	[tilespmem:$0x16B80] =	vst v63  }
0x9e: {  	s10 =	rddreg [dreg:$0x5];
	s17 =	simm.s32 $0x14580  }
0x9f: {  	[tilespmem:s17], [sflag:$0x9] =	stream.linear.gather [hbm4b:s10+s9], $0x400, $0x38;
	[tilespmem:$0x16B80] =	vst v63  }
0xa0: {  	s2 =	rddreg [dreg:$0x6]  }
0xa1: {  	[tilespmem:s19], [sflag:$0x9] =	stream.linear.gather [hbm4b:s2+s9], $0x100, $0x38;
	[tilespmem:$0x16B80] =	vst v63  }
0xa2: {  	s3 =	rddreg [dreg:$0x7]  }
0xa3: {  	[tilespmem:s21], [sflag:$0x9] =	stream.linear.gather [hbm4b:s3+s9], $0x1, $0x38;
	[tilespmem:$0x16B80] =	vst v63  }
0xa4: {  	s4 =	rddreg [dreg:$0x8]  }
0xa5: {  	[tilespmem:s23], [sflag:$0x9] =	stream.linear.gather [hbm4b:s4+s9], $0x1, $0x38;
	[tilespmem:$0x16B80] =	vst v63  }
0xa6: {  	s5 =	rddreg [dreg:$0x9]  }
0xa7: {  	[tilespmem:s24], [sflag:$0x9] =	stream.linear.gather [hbm4b:s5+s9], $0x1, $0x38;
	[tilespmem:$0x16B80] =	vst v63  }
0xa8: {  	s6 =	rddreg [dreg:$0xa]  }
0xa9: {  	[tilespmem:s25], [sflag:$0x9] =	stream.linear.gather [hbm4b:s6+s9], $0x1, $0x38;
	[tilespmem:$0x16B80] =	vst v63  }
0xaa: {  	_ =	swait.ge [sflag:s26], $0x400  }
0xab: {  	[sflag:s26] =	ssyncset.done $0x0  }
0xac: {  	[sflag:s26] =	ssyncadd.s32 $0xFFFFFC00  }
0xad: {  	_ =	swait.ge [sflag:s26], $0x100  }
0xae: {  	[sflag:s26] =	ssyncset.done $0x0  }
0xaf: {  	[sflag:s26] =	ssyncadd.s32 $0xFFFFFF00  }
0xb0: {  	_ =	swait.ge [sflag:s26], $0x400  }
0xb1: {  	[sflag:s26] =	ssyncset.done $0x0  }
0xb2: {  	[sflag:s26] =	ssyncadd.s32 $0xFFFFFC00  }
0xb3: {  	_ =	swait.ge [sflag:s26], $0x100  }
0xb4: {  	[sflag:s26] =	ssyncset.done $0x0  }
0xb5: {  	[sflag:s26] =	ssyncadd.s32 $0xFFFFFF00  }
0xb6: {  	_ =	swait.ge [sflag:s26], $0x1  }
0xb7: {  	[sflag:s26] =	ssyncset.done $0x0  }
0xb8: {  	[sflag:s26] =	ssyncadd.s32 $0xFFFFFFFF  }
0xb9: {  	_ =	swait.ge [sflag:s26], $0x1  }
0xba: {  	[sflag:s26] =	ssyncset.done $0x0  }
0xbb: {  	[sflag:s26] =	ssyncadd.s32 $0xFFFFFFFF  }
0xbc: {  	_ =	swait.ge [sflag:s26], $0x1  }
0xbd: {  	[sflag:s26] =	ssyncset.done $0x0  }
0xbe: {  	[sflag:s26] =	ssyncadd.s32 $0xFFFFFFFF  }
0xbf: {  	_ =	swait.ge [sflag:s26], $0x1  }
0xc0: {  	[sflag:s26] =	ssyncset.done $0x0  }
0xc1: {  	[sflag:s26] =	ssyncadd.s32 $0xFFFFFFFF  }
0xc2: {  	v4 =	vld [tilespmem:$0x14A80]  }
0xc3: {  	v5 =	vld [tilespmem:$0x14A90];
	_ =	sdelay $0x1  }
0xc4: {  	v6 =	vld [tilespmem:$0x14AA0]  }
0xc5: {  	v7 =	vld [tilespmem:$0x14AB0]  }
0xc6: {  	(v2sf) =	vpush v4, $0x0  }
0xc7: {  	(v2sf) =	vpush v5, $0x0;
	_ =	sdelay $0x1  }
0xc8: {  	(v2sf) =	vpush v6, $0x0  }
0xc9: {  	(v2sf) =	vpush v7, $0x0;
	_ =	sdelay $0xa  }
0xca: {  	s7 =	spop (v2sf)  }
0xcb: {  	s8 =	spop (v2sf)  }
0xcc: {  	s0 =	sadd.f32 s8, s7  }
0xcd: {  	s10 =	spop (v2sf)  }
0xce: {  	s17 =	spop (v2sf);
	v4 =	vmov s0  }
0xcf: {  	s4 =	simm.s32 $0x0;
	s31 =	sadd.f32 s17, s10;
	v4 =	vnsel vm1, $0x0, v4  }
.LBB2_2:
0xd0: {  	p1 =	sgt.s32 s4, $0x1  }
0xd1: {  	p2 =	seq.s32 @p1 s4, $0x2  }
0xd2: {  	p2 =	por !p2, !p1  }
0xd3: {  	s2 =	simm.s32 @!p2 $0x6;
	s3 =	simm.s32 @!p2 $0x5  }
0xd4: {  	s3 =	simm.s32 @p2 $0x7;
	s2 =	simm.s32 @p2 $0x8;
	p2 =	seq.s32 @!p1 s4, $0x0  }
0xd5: {  	s1 =	simm.s32 $0x1;
	p2 =	por !p2, p1  }
0xd6: {  	s1 =	simm.s32 @p2 $0x3  }
0xd7: {  	s0 =	simm.s32 $0x2;
	s1 =	smov.u32 @p1 s3  }
0xd8: {  	s10 =	simm.s32 $0x0;
	s0 =	simm.s32 @p2 $0x4;
	_ =	swait.ge [sflag:s1], $0x4000  }
0xd9: {  	s0 =	smov.u32 @p1 s2;
	s3 =	sshll.u32 s4, $0xE;
	[sflag:s1] =	ssyncset.done $0x0  }
0xda: {  	s2 =	sand.u32 $0x60, s10;
	[sflag:s1] =	ssyncadd.s32 $0xFFFFC000;
	s1 =	sand.u32 $0x3FFFC000, s3  }
0xdb: {  	s3 =	sand.u32 $0x1C00, s10;
	_ =	swait.ge [sflag:s0], $0x1000;
	s5 =	sor.u32 $0x80, s1  }
0xdc: {  	s6 =	sor.u32 $0x2080, s1;
	[sflag:s0] =	ssyncset.done $0x0;
	[dreg:$0xd] =	wrdreg s5  }
0xdd: {  	[dreg:$0xe] =	wrdreg s6;
	s5 =	sor.u32 $0x10, s2;
	s6 =	sand.u32 $0x380, s10  }
0xde: {  	[sflag:s0] =	ssyncadd.s32 $0xFFFFF000;
	s0 =	simm.s32 $0x14080;
	s7 =	rddreg [dreg:$0xd]  }
0xdf: {  	s8 =	sor.u32 s5, s6;
	v6 =	vld [tilespmem:s0+$0x0];
	s7 =	sadd.s32 s3, s7  }
0xe0: {  	v5 =	vld [tilespmem:s8+$0x14080];
	s17 =	sadd.s32 s5, s7  }
0xe1: {  	v7 =	vld [tilespmem:s17+$0x0]  }
0xe2: {  	v8 =	vld [tilespmem:s17+$0x80]  }
0xe3: {  	v9 =	vld [tilespmem:s17+$0x100]  }
0xe4: {  	v10 =	vld [tilespmem:s17+$0x180]  }
0xe5: {  	v11 =	vld [tilespmem:s17+$0x200]  }
0xe6: {  	s8 =	rddreg [dreg:$0xe];
	v12 =	vld [tilespmem:s17+$0x280]  }
0xe7: {  	s3 =	sadd.s32 s3, s8;
	v13 =	vld [tilespmem:s17+$0x300]  }
0xe8: {  	v14 =	vld [tilespmem:s17+$0x380];
	s1 =	sadd.s32 s5, s3  }
0xe9: {  	v15 =	vld [tilespmem:s1+$0x0]  }
0xea: {  	v16 =	vld [tilespmem:s1+$0x80]  }
0xeb: {  	v17 =	vld [tilespmem:s1+$0x100]  }
0xec: {  	v18 =	vld [tilespmem:s1+$0x180]  }
0xed: {  	v19 =	vld [tilespmem:s1+$0x200]  }
0xee: {  	s17 =	sadd.s32 s2, s7;
	v20 =	vld [tilespmem:s1+$0x280]  }
0xef: {  	v25 =	vld [tilespmem:s17+$0x0]  }
0xf0: {  	v26 =	vld [tilespmem:s17+$0x80];
	v7 =	vmul.f32 v7, v5;
	v8 =	vmul.f32 v8, v5  }
0xf1: {  	s5 =	sadd.s32 s2, s3;
	v27 =	vld [tilespmem:s17+$0x100];
	v9 =	vmul.f32 v9, v5;
	v10 =	vmul.f32 v10, v5  }
0xf2: {  	v28 =	vld [tilespmem:s5+$0x80];
	v31 =	vmul.f32 v11, v5;
	v32 =	vmul.f32 v12, v5  }
0xf3: {  	v12 =	vld [tilespmem:s17+$0x180];
	v29 =	vmul.f32 v13, v5;
	v30 =	vmul.f32 v14, v5  }
0xf4: {  	v13 =	vld [tilespmem:s17+$0x200];
	v23 =	vmul.f32 v15, v5;
	v24 =	vmul.f32 v16, v5  }
0xf5: {  	v14 =	vld [tilespmem:s17+$0x280];
	v21 =	vmul.f32 v17, v5;
	v22 =	vmul.f32 v18, v5  }
0xf6: {  	v11 =	vmul.f32 v19, v5;
	v18 =	vmul.f32 v20, v5;
	v19 =	vld [tilespmem:s17+$0x380]  }
0xf7: {  	v15 =	vld [tilespmem:s17+$0x300];
	v16 =	vmul.f32 v25, v6;
	v17 =	vmul.f32 v26, v6  }
0xf8: {  	v20 =	vmul.f32 v27, v6;
	v27 =	vld [tilespmem:s5+$0x0];
	v39 =	vmul.f32 v28, v6  }
0xf9: {  	v16 =	vadd.f32 v16, v4;
	v17 =	vadd.f32 v17, v4;
	v12 =	vmul.f32 v12, v6  }
0xfa: {  	v20 =	vadd.f32 v20, v4;
	v25 =	vmul.f32 v13, v6;
	v34 =	vmul.f32 v14, v6  }
0xfb: {  	v37 =	vld [tilespmem:s5+$0x100];
	v26 =	vadd.f32 v12, v4;
	v12 =	vadd.f32 v7, v16;
	v7 =	vmul.f32 v19, v6  }
0xfc: {  	v36 =	vld [tilespmem:s5+$0x180];
	v13 =	vadd.f32 v8, v17;
	v14 =	vadd.f32 v9, v20;
	v35 =	vmul.f32 v15, v6  }
0xfd: {  	v33 =	vld [tilespmem:s5+$0x200];
	v8 =	vmovc v4;
	v9 =	vmov v4;
	v38 =	vmul.f32 v27, v6;
	v25 =	vadd.f32 v25, v4  }
0xfe: {  	v16 =	vmovc v4;
	v17 =	vmovc v4;
	v19 =	vmov v4;
	v40 =	vadd.f32 v35, v4;
	v35 =	vld [tilespmem:s5+$0x300];
	v15 =	vadd.f32 v10, v26  }
0xff: {  	s2 =	simm.s32 $0x0;
	s3 =	simm.s32 $0x0;
	v20 =	vmovc v4;
	v26 =	vadd.f32 v34, v4;
	v34 =	vld [tilespmem:s5+$0x280];
	v41 =	vadd.f32 v7, v4;
	v10 =	vmovc v4;
	v7 =	vmov v4  }
.LBB2_3:
0x100: {  	s6 =	rddreg [dreg:$0xd];
	v42 =	vld [tilespmem:s5+$0x380];
	s10 =	sadd.s32 $0x20, s10  }
0x101: {  	s3 =	sadd.s32 $0x100, s3;
	s0 =	sadd.s32 $0x20, s0;
	v53 =	vld [tilespmem:s1+$0x380];
	s5 =	sand.u32 $0x60, s10  }
0x102: {  	v27 =	vadd.f32 v29, v40;
	v29 =	vld [tilespmem:s1+$0x300];
	s7 =	sand.u32 $0x1C00, s3;
	s17 =	sand.u32 $0x380, s10;
	s8 =	sor.u32 $0x10, s5  }
0x103: {  	v16 =	vadd.f32 v38, v16;
	v54 =	vld [tilespmem:s0+$0x0];
	s6 =	sadd.s32 s7, s6;
	s17 =	sor.u32 s8, s17  }
0x104: {  	v17 =	vadd.f32 v39, v17;
	s1 =	sadd.s32 s8, s6;
	v55 =	vld [tilespmem:s17+$0x14080]  }
0x105: {  	v16 =	vadd.f32 v23, v16;
	v23 =	vld [tilespmem:s1+$0x0]  }
0x106: {  	v17 =	vadd.f32 v24, v17;
	s6 =	sadd.s32 s5, s6;
	v24 =	vld [tilespmem:s1+$0x100]  }
0x107: {  	v63 =	vld [tilespmem:s6+$0x0]  }
0x108: {  	v37 =	vmul.f32 v37, v6;
	v50 =	vld [tilespmem:s6+$0x80]  }
0x109: {  	v25 =	vadd.f32 v31, v25;
	v31 =	vmul.f32 v36, v6;
	v45 =	vld [tilespmem:s6+$0x100]  }
0x10a: {  	v28 =	vadd.f32 v30, v41;
	v30 =	vmul.f32 v33, v6;
	v46 =	vld [tilespmem:s6+$0x180];
	v8 =	vadd.f32 v37, v8  }
0x10b: {  	v47 =	vld [tilespmem:s6+$0x200];
	v56 =	vmul.f32 v42, v6;
	v10 =	vadd.f32 v31, v10;
	v31 =	vmul.f32 v34, v6  }
0x10c: {  	v19 =	vadd.f32 v30, v19;
	v30 =	vmul.f32 v53, v5;
	v8 =	vadd.f32 v21, v8;
	v21 =	vld [tilespmem:s1+$0x80]  }
0x10d: {  	v9 =	vadd.f32 v56, v9;
	v10 =	vadd.f32 v22, v10;
	v22 =	vmul.f32 v29, v5;
	v29 =	vld [tilespmem:s1+$0x180]  }
0x10e: {  	v35 =	vmul.f32 v35, v6;
	v19 =	vadd.f32 v11, v19;
	v11 =	vld [tilespmem:s1+$0x200]  }
0x10f: {  	v20 =	vadd.f32 v31, v20;
	v9 =	vadd.f32 v30, v9;
	v30 =	vld [tilespmem:s1+$0x380]  }
0x110: {  	s17 =	rddreg [dreg:$0xe];
	v7 =	vadd.f32 v35, v7;
	v5 =	vmov v55;
	v55 =	vld [tilespmem:s6+$0x380]  }
0x111: {  	s7 =	sadd.s32 s7, s17;
	v20 =	vadd.f32 v18, v20;
	v18 =	vld [tilespmem:s1+$0x280]  }
0x112: {  	v7 =	vadd.f32 v22, v7;
	v22 =	vld [tilespmem:s1+$0x300];
	s1 =	sadd.s32 s8, s7  }
0x113: {  	v57 =	vld [tilespmem:s1+$0x0]  }
0x114: {  	v6 =	vmov v54;
	v58 =	vld [tilespmem:s1+$0x80]  }
0x115: {  	v53 =	vmul.f32 v63, v6;
	v59 =	vld [tilespmem:s1+$0x100]  }
0x116: {  	v54 =	vmul.f32 v50, v6;
	v56 =	vmul.f32 v45, v6;
	v60 =	vld [tilespmem:s1+$0x180]  }
0x117: {  	v48 =	vmul.f32 v23, v5;
	v43 =	vmul.f32 v24, v5;
	v61 =	vld [tilespmem:s1+$0x200]  }
0x118: {  	v26 =	vadd.f32 v32, v26;
	v62 =	vld [tilespmem:s1+$0x280];
	v49 =	vmul.f32 v21, v5;
	v44 =	vmul.f32 v29, v5  }
0x119: {  	v51 =	vld [tilespmem:s6+$0x280];
	v12 =	vadd.f32 v53, v12;
	v31 =	vmul.f32 v11, v5;
	v63 =	vmul.f32 v55, v6  }
0x11a: {  	v52 =	vld [tilespmem:s6+$0x300];
	v13 =	vadd.f32 v54, v13;
	v32 =	vmul.f32 v18, v5;
	v29 =	vmul.f32 v22, v5  }
0x11b: {  	s5 =	sadd.s32 s5, s7;
	v14 =	vadd.f32 v56, v14;
	v23 =	vmul.f32 v57, v5;
	v24 =	vmul.f32 v58, v5  }
0x11c: {  	s2 =	sadd.s32 $0x2, s2;
	v12 =	vadd.f32 v48, v12;
	v21 =	vmul.f32 v59, v5;
	v22 =	vmul.f32 v60, v5;
	v58 =	vld [tilespmem:s5+$0x0]  }
0x11d: {  	p1 =	slt.u32 s2, $0x3E;
	v14 =	vadd.f32 v43, v14;
	v11 =	vmul.f32 v61, v5;
	v18 =	vmul.f32 v62, v5;
	v60 =	vld [tilespmem:s5+$0x80]  }
.Ltmp0:
0x11e: {  	v37 =	vld [tilespmem:s5+$0x100];
	v13 =	vadd.f32 v49, v13;
	v57 =	vmul.f32 v46, v6;
	v59 =	vmul.f32 v47, v6;
	(pc) =	sbr.rel @p1 .LBB2_3-.Ltmp0, $4  }
0x11f: {  	v36 =	vld [tilespmem:s5+$0x180];
	v61 =	vmul.f32 v51, v6;
	v62 =	vmul.f32 v52, v6;
	v41 =	vadd.f32 v63, v28  }
0x120: {  	v33 =	vld [tilespmem:s5+$0x200];
	v15 =	vadd.f32 v57, v15;
	v25 =	vadd.f32 v59, v25  }
0x121: {  	v34 =	vld [tilespmem:s5+$0x280];
	v30 =	vmul.f32 v30, v5;
	v26 =	vadd.f32 v61, v26;
	v40 =	vadd.f32 v62, v27  }
0x122: {  	v35 =	vld [tilespmem:s5+$0x300];
	v15 =	vadd.f32 v44, v15;
	v38 =	vmul.f32 v58, v6;
	v39 =	vmul.f32 v60, v6  }
0x123: {  	v37 =	vmul.f32 v37, v6;
	v42 =	vld [tilespmem:s5+$0x380];
	v27 =	vadd.f32 v31, v25;
	v28 =	vadd.f32 v32, v26;
	s0 =	sshll.u32 s4, $0xC  }
0x124: {  	v25 =	vadd.f32 v29, v40;
	v26 =	vadd.f32 v30, v41;
	v31 =	vmul.f32 v36, v6;
	s0 =	sand.u32 $0x3FFFF000, s0  }
0x125: {  	v16 =	vadd.f32 v38, v16;
	v30 =	vadd.f32 v39, v17;
	s7 =	sadd.s32 $0x10080, s0  }
0x126: {  	v55 =	vmul.f32 v33, v6;
	v8 =	vadd.f32 v37, v8;
	s0 =	sadd.s32 $0x10880, s0;
	v31 =	vadd.f32 v31, v10;
	[dreg:$0xf] =	wrdreg s7  }
0x127: {  	v29 =	vld [tilespmem:s1+$0x300];
	s10 =	simm.s32 $0x0;
	v34 =	vmul.f32 v34, v6;
	v17 =	vadd.f32 v23, v16;
	[dreg:$0x10] =	wrdreg s0;
	v35 =	vmul.f32 v35, v6  }
0x128: {  	v56 =	vld [tilespmem:s1+$0x380];
	s2 =	sand.u32 $0x60, s10;
	s3 =	sand.u32 $0x400, s10;
	v10 =	vadd.f32 v21, v8;
	v19 =	vadd.f32 v55, v19;
	s1 =	rddreg [dreg:$0xf];
	v6 =	vmul.f32 v42, v6  }
0x129: {  	s8 =	sand.u32 $0xE0, s10;
	s0 =	simm.s32 $0x14490;
	s7 =	rddreg [dreg:$0x10];
	v8 =	vadd.f32 v22, v31;
	v20 =	vadd.f32 v34, v20  }
0x12a: {  	s17 =	sor.u32 $0x10, s2;
	s6 =	sadd.s32 s3, s1;
	s3 =	sadd.s32 s3, s7;
	v23 =	vadd.f32 v6, v9;
	v9 =	vadd.f32 v11, v19;
	v11 =	vld [tilespmem:s0+$0x0]  }
0x12b: {  	v22 =	vadd.f32 v35, v7;
	s1 =	sadd.s32 s17, s3;
	v7 =	vadd.f32 v18, v20;
	v18 =	vld [tilespmem:s8+$0x14480]  }
0x12c: {  	v58 =	vld [tilespmem:s1+$0x0]  }
0x12d: {  	v60 =	vld [tilespmem:s1+$0x100]  }
0x12e: {  	v61 =	vld [tilespmem:s1+$0x180]  }
0x12f: {  	v62 =	vld [tilespmem:s1+$0x200]  }
0x130: {  	s8 =	sadd.s32 s17, s6;
	v63 =	vld [tilespmem:s1+$0x280]  }
0x131: {  	v21 =	vmul.f32 v29, v5;
	v19 =	vld [tilespmem:s8+$0x0]  }
0x132: {  	v20 =	vld [tilespmem:s8+$0x80]  }
0x133: {  	v6 =	vadd.f32 v21, v22;
	v21 =	vld [tilespmem:s8+$0x100]  }
0x134: {  	v22 =	vld [tilespmem:s8+$0x180]  }
0x135: {  	v16 =	vadd.f32 v24, v30;
	v24 =	vld [tilespmem:s8+$0x280]  }
0x136: {  	v29 =	vld [tilespmem:s8+$0x300]  }
0x137: {  	s17 =	sadd.s32 s2, s6;
	v57 =	vld [tilespmem:s8+$0x380]  }
0x138: {  	v48 =	vld [tilespmem:s17+$0x0]  }
0x139: {  	v43 =	vld [tilespmem:s17+$0x80]  }
0x13a: {  	v5 =	vmul.f32 v56, v5;
	v46 =	vld [tilespmem:s17+$0x100]  }
0x13b: {  	v47 =	vld [tilespmem:s17+$0x180];
	v49 =	vmul.f32 v19, v11;
	v50 =	vmul.f32 v20, v11  }
0x13c: {  	v51 =	vld [tilespmem:s17+$0x200];
	v44 =	vmul.f32 v21, v11;
	v45 =	vmul.f32 v22, v11  }
0x13d: {  	v52 =	vld [tilespmem:s17+$0x280];
	v31 =	vmul.f32 v24, v11;
	v30 =	vmul.f32 v29, v11  }
0x13e: {  	v53 =	vld [tilespmem:s17+$0x300];
	v29 =	vmul.f32 v57, v11;
	v24 =	vmul.f32 v58, v11  }
0x13f: {  	v5 =	vadd.f32 v5, v23;
	v23 =	vld [tilespmem:s8+$0x200];
	v22 =	vmul.f32 v60, v11;
	v21 =	vmul.f32 v61, v11  }
0x140: {  	v59 =	vld [tilespmem:s1+$0x80];
	v20 =	vmul.f32 v62, v11;
	v19 =	vmul.f32 v63, v11  }
0x141: {  	v56 =	vld [tilespmem:s17+$0x380];
	v54 =	vmul.f32 v48, v18;
	v55 =	vmul.f32 v43, v18  }
0x142: {  	v57 =	vmul.f32 v46, v18;
	v58 =	vmul.f32 v47, v18  }
0x143: {  	s5 =	sadd.s32 s2, s3;
	v33 =	vmul.f32 v51, v18;
	v62 =	vmul.f32 v52, v18  }
0x144: {  	v60 =	vld [tilespmem:s5+$0x80];
	v35 =	vmul.f32 v53, v18;
	v32 =	vmul.f32 v23, v11;
	v12 =	vadd.f32 v54, v12  }
0x145: {  	v23 =	vmul.f32 v59, v11;
	v59 =	vld [tilespmem:s5+$0x0];
	v13 =	vadd.f32 v55, v13;
	v14 =	vadd.f32 v57, v14  }
0x146: {  	v37 =	vld [tilespmem:s5+$0x100];
	v63 =	vmul.f32 v56, v18;
	v61 =	vadd.f32 v58, v15;
	v27 =	vadd.f32 v33, v27  }
0x147: {  	v36 =	vld [tilespmem:s5+$0x180];
	v28 =	vadd.f32 v62, v28;
	v25 =	vadd.f32 v35, v25  }
0x148: {  	v34 =	vld [tilespmem:s5+$0x200];
	v26 =	vadd.f32 v63, v26;
	v12 =	vadd.f32 v49, v12  }
0x149: {  	v33 =	vld [tilespmem:s5+$0x280];
	v13 =	vadd.f32 v50, v13;
	v15 =	vadd.f32 v44, v14  }
0x14a: {  	s3 =	simm.s32 $0x0;
	s2 =	simm.s32 $0x0;
	v35 =	vld [tilespmem:s5+$0x300];
	v14 =	vadd.f32 v45, v61;
	v39 =	vmul.f32 v60, v18;
	v38 =	vmul.f32 v59, v18  }
.LBB2_5:
0x14b: {  	v40 =	vld [tilespmem:s5+$0x380]  }
0x14c: {  	s6 =	rddreg [dreg:$0xf];
	s10 =	sadd.s32 $0x100, s10;
	s3 =	sadd.s32 $0x20, s3;
	v57 =	vld [tilespmem:s1+$0x380]  }
0x14d: {  	s0 =	sadd.s32 $0x20, s0;
	v26 =	vadd.f32 v29, v26;
	v29 =	vld [tilespmem:s1+$0x300];
	s5 =	sand.u32 $0x60, s3;
	s7 =	sand.u32 $0x400, s10  }
0x14e: {  	v16 =	vadd.f32 v39, v16;
	s17 =	sand.u32 $0xE0, s3;
	v58 =	vld [tilespmem:s0+$0x0];
	s6 =	sadd.s32 s7, s6;
	s8 =	sor.u32 $0x10, s5  }
0x14f: {  	v17 =	vadd.f32 v38, v17;
	v59 =	vld [tilespmem:s17+$0x14480];
	s1 =	sadd.s32 s8, s6  }
0x150: {  	v16 =	vadd.f32 v23, v16;
	v23 =	vld [tilespmem:s1+$0x0]  }
0x151: {  	v17 =	vadd.f32 v24, v17;
	v24 =	vld [tilespmem:s1+$0x100]  }
0x152: {  	s6 =	sadd.s32 s5, s6;
	v60 =	vld [tilespmem:s1+$0x380]  }
0x153: {  	v51 =	vld [tilespmem:s6+$0x0]  }
0x154: {  	v43 =	vld [tilespmem:s6+$0x80]  }
0x155: {  	v46 =	vld [tilespmem:s6+$0x100]  }
0x156: {  	v47 =	vld [tilespmem:s6+$0x180]  }
0x157: {  	v28 =	vadd.f32 v31, v28;
	v37 =	vmul.f32 v37, v18;
	v31 =	vmul.f32 v36, v18;
	v52 =	vld [tilespmem:s6+$0x200]  }
0x158: {  	v25 =	vadd.f32 v30, v25;
	v30 =	vmul.f32 v34, v18;
	v53 =	vld [tilespmem:s6+$0x280]  }
0x159: {  	v54 =	vld [tilespmem:s6+$0x300];
	v10 =	vadd.f32 v37, v10;
	v8 =	vadd.f32 v31, v8  }
0x15a: {  	v31 =	vmul.f32 v33, v18;
	v9 =	vadd.f32 v30, v9;
	v30 =	vmul.f32 v57, v11;
	v57 =	vld [tilespmem:s6+$0x380]  }
0x15b: {  	v35 =	vmul.f32 v35, v18;
	v18 =	vmul.f32 v40, v18;
	v8 =	vadd.f32 v21, v8;
	v21 =	vld [tilespmem:s1+$0x80]  }
0x15c: {  	v10 =	vadd.f32 v22, v10;
	v7 =	vadd.f32 v31, v7;
	v22 =	vmul.f32 v29, v11;
	v29 =	vld [tilespmem:s1+$0x180]  }
0x15d: {  	s17 =	rddreg [dreg:$0x10];
	v6 =	vadd.f32 v35, v6;
	v9 =	vadd.f32 v20, v9;
	v20 =	vld [tilespmem:s1+$0x280]  }
0x15e: {  	s7 =	sadd.s32 s7, s17;
	v11 =	vmov v58;
	v7 =	vadd.f32 v19, v7;
	v19 =	vld [tilespmem:s1+$0x200]  }
0x15f: {  	v5 =	vadd.f32 v18, v5;
	v41 =	vmul.f32 v23, v11;
	v6 =	vadd.f32 v22, v6;
	v18 =	vmovc v59;
	v22 =	vld [tilespmem:s1+$0x300];
	s1 =	sadd.s32 s8, s7  }
0x160: {  	v44 =	vmul.f32 v24, v11;
	v61 =	vld [tilespmem:s1+$0x0];
	v55 =	vmul.f32 v51, v18  }
0x161: {  	v62 =	vld [tilespmem:s1+$0x80];
	v56 =	vmul.f32 v43, v18;
	v58 =	vmul.f32 v46, v18  }
0x162: {  	v27 =	vadd.f32 v32, v27;
	v63 =	vld [tilespmem:s1+$0x100];
	v59 =	vmul.f32 v47, v18;
	v33 =	vmul.f32 v52, v18  }
0x163: {  	v5 =	vadd.f32 v30, v5;
	v48 =	vld [tilespmem:s1+$0x180];
	v35 =	vmul.f32 v54, v18;
	v42 =	vmul.f32 v21, v11  }
0x164: {  	v49 =	vld [tilespmem:s1+$0x200];
	v45 =	vmul.f32 v29, v11;
	v31 =	vmul.f32 v20, v11;
	v12 =	vadd.f32 v55, v12  }
0x165: {  	s5 =	sadd.s32 s5, s7;
	v50 =	vld [tilespmem:s1+$0x280];
	v29 =	vmul.f32 v60, v11;
	v13 =	vadd.f32 v56, v13;
	v15 =	vadd.f32 v58, v15  }
0x166: {  	s2 =	sadd.s32 $0x2, s2;
	v60 =	vld [tilespmem:s5+$0x0];
	v14 =	vadd.f32 v59, v14;
	v27 =	vadd.f32 v33, v27;
	v32 =	vmul.f32 v19, v11  }
0x167: {  	p1 =	slt.u32 s2, $0xE;
	v25 =	vadd.f32 v35, v25;
	v30 =	vmul.f32 v22, v11;
	v24 =	vmul.f32 v61, v11;
	v61 =	vld [tilespmem:s5+$0x80]  }
.Ltmp1:
0x168: {  	v36 =	vld [tilespmem:s5+$0x180];
	v12 =	vadd.f32 v41, v12;
	v13 =	vadd.f32 v42, v13;
	v23 =	vmul.f32 v62, v11;
	(pc) =	sbr.rel @p1 .LBB2_5-.Ltmp1, $4  }
0x169: {  	v34 =	vld [tilespmem:s5+$0x200];
	v15 =	vadd.f32 v44, v15;
	v22 =	vmul.f32 v63, v11;
	v62 =	vmul.f32 v53, v18  }
0x16a: {  	v37 =	vld [tilespmem:s5+$0x100];
	v14 =	vadd.f32 v45, v14;
	v21 =	vmul.f32 v48, v11;
	v63 =	vmul.f32 v57, v18  }
0x16b: {  	v33 =	vld [tilespmem:s5+$0x280];
	v20 =	vmul.f32 v49, v11;
	v19 =	vmul.f32 v50, v11;
	v28 =	vadd.f32 v62, v28  }
0x16c: {  	v35 =	vld [tilespmem:s5+$0x300];
	v38 =	vmul.f32 v60, v18;
	v26 =	vadd.f32 v63, v26;
	v39 =	vmul.f32 v61, v18  }
0x16d: {  	v40 =	vld [tilespmem:s5+$0x380];
	s0 =	sshll.u32 s4, $0xB  }
0x16e: {  	v41 =	vld [tilespmem:s1+$0x300];
	s0 =	sand.u32 $0x3FFFF800, s0  }
0x16f: {  	v42 =	vld [tilespmem:s1+$0x380];
	[tilespmem:s0+$0x14B00] =	vst v12  }
0x170: {  	[tilespmem:s0+$0x14B80] =	vst v13  }
0x171: {  	v50 =	vadd.f32 v32, v27;
	[tilespmem:s0+$0x14C00] =	vst v15  }
0x172: {  	v51 =	vadd.f32 v31, v28;
	[tilespmem:s0+$0x14C80] =	vst v14  }
0x173: {  	v53 =	vadd.f32 v30, v25;
	v54 =	vmul.f32 v36, v18;
	v17 =	vadd.f32 v38, v17;
	[tilespmem:s0+$0x14D00] =	vst v50  }
0x174: {  	v55 =	vadd.f32 v29, v26;
	v16 =	vadd.f32 v39, v16;
	v56 =	vmul.f32 v34, v18;
	[tilespmem:s0+$0x14D80] =	vst v51  }
0x175: {  	v52 =	vmul.f32 v37, v18;
	[tilespmem:s0+$0x14E00] =	vst v53;
	v8 =	vadd.f32 v54, v8;
	v57 =	vadd.f32 v24, v17  }
0x176: {  	v58 =	vmul.f32 v33, v18;
	v59 =	vadd.f32 v23, v16;
	[tilespmem:s0+$0x14E80] =	vst v55;
	v9 =	vadd.f32 v56, v9  }
0x177: {  	v10 =	vadd.f32 v52, v10;
	v60 =	vmul.f32 v35, v18;
	v8 =	vadd.f32 v21, v8;
	[tilespmem:s0+$0x14F00] =	vst v57  }
0x178: {  	s4 =	sadd.s32 $0x1, s4;
	v61 =	vmul.f32 v40, v18;
	v7 =	vadd.f32 v58, v7;
	[tilespmem:s0+$0x14F80] =	vst v59;
	v9 =	vadd.f32 v20, v9  }
0x179: {  	p1 =	sne.s32 s4, $0x4;
	v62 =	vmul.f32 v41, v11;
	v10 =	vadd.f32 v22, v10;
	v6 =	vadd.f32 v60, v6;
	[tilespmem:s0+$0x15080] =	vst v8  }
.Ltmp2:
0x17a: {  	v63 =	vmul.f32 v42, v11;
	v5 =	vadd.f32 v61, v5;
	v7 =	vadd.f32 v19, v7;
	[tilespmem:s0+$0x15100] =	vst v9;
	(pc) =	sbr.rel @p1 .LBB2_2-.Ltmp2, $4  }
0x17b: {  	[tilespmem:s0+$0x15000] =	vst v10;
	v6 =	vadd.f32 v62, v6  }
0x17c: {  	v5 =	vadd.f32 v63, v5;
	[tilespmem:s0+$0x15180] =	vst v7  }
0x17d: {  	[tilespmem:s0+$0x15200] =	vst v6  }
0x17e: {  	[tilespmem:s0+$0x15280] =	vst v5  }
.Ltmp3:
0x17f: {  	(pc) =	sbr.rel @p0 .LBB2_11-.Ltmp3, $1  }
0x180: {  	_ =	sdelay $0x3  }
0x181: {  	s0 =	simm.s32 $0x0  }
0x182: {  	s1 =	sand.u32 $0x3C0, s0;
	s2 =	sand.u32 $0x40, s0;
	s0 =	sand.u32 $0x1C00, s0  }
0x183: {  	s2 =	sor.u32 s2, s0;
	v4 =	vld [tilespmem:s1+$0x14580]  }
0x184: {  	s10 =	simm.s32 $0x145B0;
	v5 =	vld [tilespmem:s2+$0x80]  }
0x185: {  	v7 =	vld [tilespmem:s10+$0xFFFFFFE0]  }
0x186: {  	v8 =	vld [tilespmem:s2+$0x90]  }
0x187: {  	v10 =	vld [tilespmem:s10+$0xFFFFFFF0]  }
0x188: {  	s17 =	simm.s32 $0x40;
	s0 =	simm.s32 $0x200;
	v11 =	vld [tilespmem:s2+$0xA0]  }
0x189: {  	v6 =	vmov s31;
	v12 =	vld [tilespmem:s10+$0x0];
	s1 =	sand.u32 $0x40, s17;
	s4 =	sand.u32 $0x1C00, s0;
	v4 =	vmul.f32 v4, v5  }
0x18a: {  	v13 =	vld [tilespmem:s2+$0xB0];
	s1 =	sor.u32 s1, s4;
	v5 =	vnsel vm1, $0x0, v6  }
0x18b: {  	s3 =	sand.u32 $0x3C0, s17;
	v9 =	vld [tilespmem:s1+$0x80];
	v7 =	vmul.f32 v7, v8;
	v4 =	vadd.f32 v4, v5  }
0x18c: {  	s2 =	simm.s32 $0x145F0;
	v6 =	vld [tilespmem:s3+$0x14580]  }
0x18d: {  	v10 =	vmul.f32 v10, v11;
	v5 =	vld [tilespmem:s2+$0xFFFFFFE0];
	v8 =	vadd.f32 v7, v4  }
0x18e: {  	v7 =	vld [tilespmem:s1+$0x90]  }
0x18f: {  	v11 =	vmul.f32 v12, v13;
	v4 =	vld [tilespmem:s2+$0xFFFFFFF0];
	v10 =	vadd.f32 v10, v8  }
0x190: {  	s4 =	simm.s32 $0x80;
	s3 =	simm.s32 $0x4;
	v8 =	vld [tilespmem:s1+$0xA0]  }
.LBB2_9:
0x191: {  	s5 =	sand.u32 $0x3C0, s4;
	v9 =	vmul.f32 v6, v9;
	v12 =	vld [tilespmem:s2+$0x0];
	s0 =	sadd.s32 $0x200, s0;
	v10 =	vadd.f32 v11, v10  }
0x192: {  	s6 =	sand.u32 $0x40, s4;
	s3 =	sadd.s32 $0x4, s3;
	s7 =	sand.u32 $0x1C00, s0;
	v11 =	vld [tilespmem:s1+$0xB0]  }
0x193: {  	p1 =	slt.u32 s3, $0x3C;
	s1 =	sor.u32 s6, s7;
	v6 =	vld [tilespmem:s5+$0x14580];
	v10 =	vadd.f32 v9, v10;
	v7 =	vmul.f32 v5, v7  }
.Ltmp4:
0x194: {  	s2 =	sadd.s32 $0x40, s2;
	v9 =	vld [tilespmem:s1+$0x80];
	(pc) =	sbr.rel @p1 .LBB2_9-.Ltmp4, $4  }
0x195: {  	v5 =	vld [tilespmem:s2+$0xFFFFFFE0];
	v10 =	vadd.f32 v7, v10;
	v8 =	vmul.f32 v4, v8  }
0x196: {  	v7 =	vld [tilespmem:s1+$0x90]  }
0x197: {  	v4 =	vld [tilespmem:s2+$0xFFFFFFF0];
	v10 =	vadd.f32 v8, v10;
	v11 =	vmul.f32 v12, v11  }
0x198: {  	s4 =	sadd.s32 $0x40, s4;
	v8 =	vld [tilespmem:s1+$0xA0]  }
0x199: {  	v6 =	vmul.f32 v6, v9;
	v30 =	vld [tilespmem:s2+$0x0];
	v10 =	vadd.f32 v11, v10  }
0x19a: {  	v31 =	vld [tilespmem:s1+$0xB0]  }
0x19b: {  	v32 =	vld [tilespmem:$0x10080];
	v6 =	vadd.f32 v6, v10;
	v5 =	vmul.f32 v5, v7  }
0x19c: {  	v33 =	vld [tilespmem:$0x14980]  }
0x19d: {  	v34 =	vld [tilespmem:$0x10090];
	v5 =	vadd.f32 v5, v6;
	v4 =	vmul.f32 v4, v8  }
0x19e: {  	v35 =	vld [tilespmem:$0x14990]  }
0x19f: {  	v36 =	vld [tilespmem:$0x100A0];
	v4 =	vadd.f32 v4, v5;
	v5 =	vmul.f32 v30, v31  }
0x1a0: {  	v37 =	vld [tilespmem:$0x149A0]  }
0x1a1: {  	v38 =	vld [tilespmem:$0x100B0];
	v4 =	vadd.f32 v5, v4;
	v5 =	vmul.f32 v33, v32  }
0x1a2: {  	v39 =	vld [tilespmem:$0x149B0]  }
0x1a3: {  	v40 =	vld [tilespmem:$0x100C0];
	v4 =	vadd.f32 v5, v4;
	v5 =	vmul.f32 v35, v34  }
0x1a4: {  	v41 =	vld [tilespmem:$0x149C0]  }
0x1a5: {  	v42 =	vld [tilespmem:$0x100D0];
	v4 =	vadd.f32 v5, v4;
	v5 =	vmul.f32 v37, v36  }
0x1a6: {  	v43 =	vld [tilespmem:$0x149D0]  }
0x1a7: {  	v44 =	vld [tilespmem:$0x100E0];
	v4 =	vadd.f32 v5, v4;
	v5 =	vmul.f32 v39, v38  }
0x1a8: {  	v45 =	vld [tilespmem:$0x149E0]  }
0x1a9: {  	v46 =	vld [tilespmem:$0x100F0];
	v4 =	vadd.f32 v5, v4;
	v5 =	vmul.f32 v41, v40  }
0x1aa: {  	v47 =	vld [tilespmem:$0x149F0]  }
0x1ab: {  	v48 =	vld [tilespmem:$0x10480];
	v4 =	vadd.f32 v5, v4;
	v5 =	vmul.f32 v43, v42  }
0x1ac: {  	v49 =	vld [tilespmem:$0x14A00]  }
0x1ad: {  	v50 =	vld [tilespmem:$0x10490];
	v4 =	vadd.f32 v5, v4;
	v5 =	vmul.f32 v45, v44  }
0x1ae: {  	v51 =	vld [tilespmem:$0x14A10]  }
0x1af: {  	v52 =	vld [tilespmem:$0x104A0];
	v4 =	vadd.f32 v5, v4;
	v5 =	vmul.f32 v47, v46  }
0x1b0: {  	v53 =	vld [tilespmem:$0x14A20]  }
0x1b1: {  	v54 =	vld [tilespmem:$0x104B0];
	v4 =	vadd.f32 v5, v4;
	v5 =	vmul.f32 v49, v48  }
0x1b2: {  	v55 =	vld [tilespmem:$0x14A30]  }
0x1b3: {  	v56 =	vld [tilespmem:$0x104C0];
	v4 =	vadd.f32 v5, v4;
	v5 =	vmul.f32 v51, v50  }
0x1b4: {  	v57 =	vld [tilespmem:$0x14A40]  }
0x1b5: {  	v58 =	vld [tilespmem:$0x104D0];
	v4 =	vadd.f32 v5, v4;
	v5 =	vmul.f32 v53, v52  }
0x1b6: {  	v59 =	vld [tilespmem:$0x14A50]  }
0x1b7: {  	v60 =	vld [tilespmem:$0x104E0];
	v4 =	vadd.f32 v5, v4;
	v5 =	vmul.f32 v55, v54  }
0x1b8: {  	v61 =	vld [tilespmem:$0x14A60]  }
0x1b9: {  	v62 =	vld [tilespmem:$0x104F0];
	v4 =	vadd.f32 v5, v4;
	v5 =	vmul.f32 v57, v56  }
0x1ba: {  	v63 =	vld [tilespmem:$0x14A70]  }
0x1bb: {  	v4 =	vadd.f32 v5, v4;
	v5 =	vmul.f32 v59, v58;
	_ =	sdelay $0x1  }
0x1bc: {  	v4 =	vadd.f32 v5, v4;
	v5 =	vmul.f32 v61, v60;
	_ =	sdelay $0x1  }
0x1bd: {  	v4 =	vadd.f32 v5, v4;
	v5 =	vmul.f32 v63, v62;
	_ =	sdelay $0x1  }
0x1be: {  	v4 =	vadd.f32 v5, v4;
	_ =	sdelay $0x1  }
0x1bf: {  	[tilespmem:$0x14B00] =	vst v4  }
.LBB2_11:
0x1c0: {  	s0 =	simm.s32 $0x0;
	s1 =	simm.s32 $0x0  }
.LBB2_12:
0x1c1: {  	s2 =	sshll.u32 s1, $0x4;
	s3 =	simm.s32 $0x1  }
0x1c2: {  	v6 =	vmul.u32 $0x80, v0;
	v4 =	vmov s2;
	v7 =	vmov s3  }
0x1c3: {  	v5 =	vmov s0;
	v4 =	vshll.u32 v4, $0x7;
	v7 =	vand.u32 $0x7D, v7  }
0x1c4: {  	v5 =	vand.u32 $0x7C, v5;
	v4 =	vor.u32 v6, v4;
	v6 =	vbroadcast v7, $0x0  }
0x1c5: {  	s31 =	simm.s32 $0x2;
	v5 =	vbroadcast v5, $0x0  }
0x1c6: {  	v11 =	vor.u32 v4, v6;
	v6 =	vmov s31  }
0x1c7: {  	s4 =	simm.s32 $0x3;
	v5 =	vor.u32 v4, v5;
	v6 =	vand.u32 $0x7E, v6  }
0x1c8: {  	v7 =	vmov s4;
	v6 =	vbroadcast v6, $0x0  }
0x1c9: {  	v7 =	vand.u32 $0x7F, v7  }
0x1ca: {  	v10 =	vbroadcast v7, $0x0;
	v9 =	vor.u32 v4, v6;
	_ =	sdelay $0x1  }
0x1cb: {  	s3 =	simm.s32 $0x4;
	v7 =	vld.idx.msk [tilespmem:v5+s28+$0x0], $0xffff;
	v6 =	vor.u32 v4, v10  }
0x1cc: {  	v8 =	vimm.f32 $0.0e+00;
	s4 =	simm.s32 $0x8;
	v10 =	vmov s3;
	v5 =	vld.idx.msk [tilespmem:v11+s28+$0x0], $0xffff  }
.LBB2_13:
0x1cd: {  	p1 =	slt.u32 s4, $0xC;
	v10 =	vand.u32 $0x7C, v10;
	s5 =	sadd.s32 $0x1, s3  }
0x1ce: {  	v10 =	vbroadcast v10, $0x0;
	v11 =	vmov s5;
	s5 =	sadd.s32 $0x2, s3;
	v12 =	vld.idx.msk [tilespmem:v9+s28+$0x0], $0xffff  }
0x1cf: {  	v9 =	vand.u32 $0x7D, v11;
	v11 =	vmov s5  }
0x1d0: {  	s5 =	sadd.s32 $0x3, s3;
	v7 =	vadd.f32 v7, v8;
	s3 =	smov.u32 s4;
	v10 =	vor.u32 v4, v10;
	v9 =	vbroadcast v9, $0x0;
	v8 =	vld.idx.msk [tilespmem:v6+s28+$0x0], $0xffff  }
0x1d1: {  	v6 =	vand.u32 $0x7E, v11;
	v11 =	vmov s5  }
0x1d2: {  	v6 =	vbroadcast v6, $0x0;
	v5 =	vadd.f32 v5, v7;
	v13 =	vor.u32 v4, v9  }
.Ltmp5:
0x1d3: {  	v7 =	vand.u32 $0x7F, v11;
	(pc) =	sbr.rel @p1 .LBB2_13-.Ltmp5, $4  }
0x1d4: {  	v9 =	vor.u32 v4, v6;
	v6 =	vbroadcast v7, $0x0;
	v5 =	vadd.f32 v12, v5  }
0x1d5: {  	v7 =	vld.idx.msk [tilespmem:v10+s28+$0x0], $0xffff  }
0x1d6: {  	v6 =	vor.u32 v4, v6;
	v8 =	vadd.f32 v8, v5  }
0x1d7: {  	s4 =	sadd.s32 $0x4, s4;
	v10 =	vmov s3;
	v5 =	vld.idx.msk [tilespmem:v13+s28+$0x0], $0xffff  }
0x1d8: {  	v10 =	vand.u32 $0x7C, v10;
	s4 =	sadd.s32 $0x1, s3  }
0x1d9: {  	v10 =	vbroadcast v10, $0x0;
	v11 =	vmov s4  }
0x1da: {  	s17 =	sadd.s32 $0x2, s3;
	v11 =	vand.u32 $0x7D, v11  }
0x1db: {  	s31 =	sadd.s32 $0x3, s3;
	v12 =	vmov s17;
	v10 =	vor.u32 v4, v10;
	v11 =	vbroadcast v11, $0x0  }
0x1dc: {  	v9 =	vld.idx.msk [tilespmem:v9+s28+$0x0], $0xffff;
	v59 =	vmov s31;
	v58 =	vand.u32 $0x7E, v12  }
0x1dd: {  	v7 =	vadd.f32 v7, v8;
	v8 =	vbroadcast v58, $0x0;
	v11 =	vor.u32 v4, v11  }
0x1de: {  	v6 =	vld.idx.msk [tilespmem:v6+s28+$0x0], $0xffff;
	v12 =	vand.u32 $0x7F, v59  }
0x1df: {  	v61 =	vbroadcast v12, $0x0;
	v5 =	vadd.f32 v5, v7;
	v60 =	vor.u32 v4, v8  }
0x1e0: {  	v10 =	vld.idx.msk [tilespmem:v10+s28+$0x0], $0xffff  }
0x1e1: {  	v4 =	vor.u32 v4, v61;
	v5 =	vadd.f32 v9, v5  }
0x1e2: {  	v62 =	vld.idx.msk [tilespmem:v11+s28+$0x0], $0xffff  }
0x1e3: {  	v5 =	vadd.f32 v6, v5  }
0x1e4: {  	v63 =	vld.idx.msk [tilespmem:v60+s28+$0x0], $0xffff  }
0x1e5: {  	v5 =	vadd.f32 v10, v5  }
0x1e6: {  	v4 =	vld.idx.msk [tilespmem:v4+s28+$0x0], $0xffff  }
0x1e7: {  	s1 =	sadd.s32 $0x1, s1;
	v5 =	vadd.f32 v62, v5  }
0x1e8: {  	p1 =	sne.s32 s1, $0x4  }
.Ltmp6:
0x1e9: {  	v5 =	vadd.f32 v63, v5;
	(pc) =	sbr.rel @p1 .LBB2_12-.Ltmp6, $3  }
0x1ea: {  	_ = 	snop  }
0x1eb: {  	v4 =	vadd.f32 v4, v5;
	_ =	sdelay $0x1  }
0x1ec: {  	[tilespmem:s2+$0x16B00] =	vst v4  }
0x1ed: {  	s30 =	sadd.s32 $0x1, s30  }
0x1ee: {  	p1 =	sne.s32 s30, s15  }
.Ltmp7:
0x1ef: {  	_ = 	snop;
	(pc) =	sbr.rel @p1 .LBB2_1-.Ltmp7, $4  }
0x1f0: {  	[hbm4b:s14+s9] =	stream.linear.scatter [tilespmem:s29], [sflag:$0xA], $0x40, $0x38;
	[tilespmem:$0x16B80] =	vst v63  }
0x1f1: {  	_ =	swait.ge [sflag:s16], $0x40  }
0x1f2: {  	[sflag:s16] =	ssyncset.done $0x0  }
0x1f3: {  	[sflag:s16] =	ssyncadd.s32 $0xFFFFFFC0  }
0x1f4: {  	_ =	sfence.sel $0x180000  }
0x1f5: {  	[bflag:$0x0] =	sbarrier.arrive $0xFFFF  }
0x1f6: {  	_ =	strace $0x90000047  }
0x1f7: {  	s0 =	stileid.u32;
	[bflag:$0x2] =	sbarrier.arrive $0xFFFF  }
0x1f8: {  	p0 =	sne.s32 s0, $0x0;
	s0 =	rddreg [dreg:$0xc]  }
0x1f9: {  	s0 =	sadd.s32 @!p0 $0x100000, s0  }
0x1fa: {  	[sflag:s0] =	ssyncadd.tile.s32 @!p0 $0x1;
	_ =	shalt  }
.Lfunc_end2:
_tile_overlayer_lowered:
.L_overlay_start_2:
0x1fb: {  	(tag) =	ssettag $0x2  }
0x1fc: {  	s0 =	rddreg [dreg:$0x0];
	s2 =	stileid.u32  }
0x1fd: {  	s1 =	rddreg [dreg:$0x1];
	p0 =	sne.s32 s2, $0x0  }
0x1fe: {  	s3 =	rddreg [dreg:$0x2];
	[bflag:$0x3] =	sbarrier.arrive $0xFFFF;
	s2 =	simm.s32 @!p0 $0x1C0A  }
0x1ff: {  	[timem:s3], [sflag:s2] =	dma.local @!p0 [hbm:s0], s1  }
0x200: {  	s0 =	simm.s32 @!p0 $0xA  }
0x201: {  	_ =	swait.ge @!p0 [sflag:s0], s1  }
0x202: {  	s1 =	ssub.s32 @!p0 $0x0, s1;
	[sflag:s0] =	ssyncset.done @!p0 $0x0  }
0x203: {  	[sflag:s0] =	ssyncadd.s32 @!p0 s1  }
0x204: {  	[bflag:$0x3] =	sbarrier.arrive $0xFFFF  }
0x205: {  	_ =	shalt  }

</sc_bundles>
